<compile_context>
chip_gen: v7x
topology: tpu7x:2x2x1
jax: 0.10.2.dev20260603
libtpu: 0.0.44.dev20260713+nightly
codegen_flags: <defaults>
</compile_context>

<pallas_src>
import functools

import jax
import jax.numpy as jnp
from jax import lax
from jax.experimental import pallas as pl
from jax.experimental.pallas import tpu as pltpu
from jax.experimental.pallas import tpu_sc as plsc

NC, NS = 2, 16
NW = NC * NS
R = 128


def kernel(x, pe, chrom_table, positions, chromosomes):
    B, S, CX = x.shape
    ML, CPE = pe.shape
    CCH = chrom_table.shape[1]
    CO = CX + CPE + CCH
    SPW = B // NW
    NCHUNK = S // R

    mesh = plsc.VectorSubcoreMesh(core_axis_name="c", subcore_axis_name="s",
                                  num_cores=NC, num_subcores=NS)

    @functools.partial(
        pl.kernel, mesh=mesh,
        out_type=jax.ShapeDtypeStruct((B, S, CO), jnp.float32),
        compiler_params=pltpu.CompilerParams(use_tc_tiling_on_sc=False),
        scratch_types=[
            pltpu.VMEM((B + 16,), jnp.int32),
            pltpu.VMEM((B + 16,), jnp.int32),
            pltpu.VMEM((CCH,), jnp.float32),
            pltpu.VMEM((R, CCH), jnp.float32),
            pltpu.VMEM((R, CX), jnp.float32),
            pltpu.VMEM((R, CPE), jnp.float32),
        ],
    )
    def k(x_hbm, pe_hbm, tbl_hbm, pos_hbm, chr_hbm, out_hbm,
          posv, chrv, rowv, chtile, bufx, bufpe):
        wid = lax.axis_index("s") * NC + lax.axis_index("c")
        pltpu.sync_copy(pos_hbm, posv.at[pl.ds(0, B)])
        pltpu.sync_copy(chr_hbm, chrv.at[pl.ds(0, B)])
        for kk in range(SPW):
            i = wid * SPW + kk
            pos = jnp.clip(posv[pl.ds(i, 16)][0], 0, ML - S)
            c = chrv[pl.ds(i, 16)][0]
            pltpu.sync_copy(tbl_hbm.at[c], rowv)

            @pl.loop(0, R)
            def _fill(rr):
                for g in range(CCH // 16):
                    chtile[rr, pl.ds(g * 16, 16)] = rowv[pl.ds(g * 16, 16)]

            @pl.loop(0, NCHUNK)
            def _chunk(t):
                r0 = t * R
                pltpu.sync_copy(x_hbm.at[pl.ds(i * S + r0, R)], bufx)
                pltpu.sync_copy(bufx, out_hbm.at[i, pl.ds(r0, R), pl.ds(0, CX)])
                pltpu.sync_copy(pe_hbm.at[pl.ds(pos + r0, R)], bufpe)
                pltpu.sync_copy(bufpe,
                                out_hbm.at[i, pl.ds(r0, R), pl.ds(CX, CPE)])
                pltpu.sync_copy(chtile,
                                out_hbm.at[i, pl.ds(r0, R),
                                           pl.ds(CX + CPE, CCH)])

    return k(x.reshape(B * S, CX), pe, chrom_table,
             positions.astype(jnp.int32), chromosomes.astype(jnp.int32))

# --- scband reference (transcript-rebuilt; emitter-appended) ---
"""Pipeline reference for scband-positional-encoding-77927886618757 (READ-ONLY COPY).

The authoritative reference and input builder live on the scoring server;
editing this copy changes nothing except your own understanding.
"""

import jax, jax.numpy as jnp
import numpy as np
import math


def setup_inputs(seed: int = 0) -> dict:
    key = jax.random.key(seed)
    k1, k2, k3, k4 = jax.random.split(key, 4)
    d_model = 256
    max_len = 10000
    n_chromosomes = 14
    batch, seq_len, channels = 128, 2048, 128
    # sinusoidal positional encoding buffer (same as torch init)
    position = np.arange(0, max_len, dtype=np.float32)[:, None]
    div_term = np.exp(np.arange(0, d_model, 2, dtype=np.float32) * (-math.log(10000.0) / d_model))
    pe = np.zeros((max_len, d_model), dtype=np.float32)
    pe[:, 0::2] = np.sin(position * div_term)
    pe[:, 1::2] = np.cos(position * div_term)
    x = jax.random.normal(k1, (batch, seq_len, channels), dtype=jnp.float32)
    positions = jax.random.randint(k2, (batch,), 0, max_len - seq_len)
    chromosomes = jax.random.randint(k3, (batch,), 0, n_chromosomes + 1)
    chrom_table = jax.random.normal(k4, (n_chromosomes + 1, d_model // 4), dtype=jnp.float32)
    return {"x": x, "pe": jnp.asarray(pe), "chrom_table": chrom_table,
            "positions": positions, "chromosomes": chromosomes}


def reference(x, pe, chrom_table, positions, chromosomes):
    batch = x.shape[0]
    seq_len = x.shape[1]
    # clamp starting positions so slices stay in range
    pos_c = jnp.clip(positions, 0, pe.shape[0] - seq_len)
    # vectorized equivalent of per-sample pe[positions[i]:positions[i]+seq_len]
    idx = pos_c[:, None] + jnp.arange(seq_len)  # [B, S]
    pos_encodings = pe[idx]  # gather -> [B, S, d_model]
    chrom_enc = chrom_table[chromosomes]  # embedding lookup -> [B, d_model//4]
    chrom_enc = jnp.broadcast_to(chrom_enc[:, None, :], (batch, seq_len, chrom_enc.shape[1]))
    combined = jnp.concatenate([pos_encodings, chrom_enc], axis=2)
    return jnp.concatenate([x, combined], axis=2)

if __name__ == "__main__":
    import jax
    _d = setup_inputs()
    print(jax.jit(kernel)(*tuple(_d.values())))

</pallas_src>

<mosaic_0001>
#map = affine_map<(d0, d1) -> (0, 0)>
#map1 = affine_map<(d0, d1) -> (0)>
#map2 = affine_map<(d0, d1) -> (0, 0, 0)>
module attributes {stable_mosaic.version = 14 : i64} {
  func.func @k(%arg0: i32, %arg1: i32, %arg2: memref<262144x128xf32, #tpu.memory_space<hbm>>, %arg3: memref<10000x256xf32, #tpu.memory_space<hbm>>, %arg4: memref<15x64xf32, #tpu.memory_space<hbm>>, %arg5: memref<128xi32, #tpu.memory_space<hbm>>, %arg6: memref<128xi32, #tpu.memory_space<hbm>>, %arg7: memref<128x2048x448xf32, #tpu.memory_space<hbm>>, %arg8: memref<144xi32, #tpu.memory_space<vmem>>, %arg9: memref<144xi32, #tpu.memory_space<vmem>>, %arg10: memref<64xf32, #tpu.memory_space<vmem>>, %arg11: memref<128x64xf32, #tpu.memory_space<vmem>>, %arg12: memref<128x128xf32, #tpu.memory_space<vmem>>, %arg13: memref<128x256xf32, #tpu.memory_space<vmem>>) attributes {dimension_semantics = [#tpu.dimension_semantics<core_parallel>, #tpu.dimension_semantics<subcore_parallel>], iteration_bounds = array<i64: 2, 16>, scalar_prefetch = 0 : i64, scratch_operands = 6 : i64, tpu.core_type = #tpu.core_type<sc_vector_subcore>, window_params = [{transform_indices = #map}, {transform_indices = #map}, {transform_indices = #map}, {transform_indices = #map1}, {transform_indices = #map1}, {transform_indices = #map2}]} {
    %mul3A = arith.constant 2 : i32
    %mul3A_0 = arith.muli %arg1, %mul3A : i32
    %add3A = arith.addi %mul3A_0, %arg0 : i32
    "tpu.region"() ({
      %run_scoped3A = tpu.sem_alloc : memref<!tpu.dma_semaphore, #tpu.memory_space<semaphore_mem>>
      %dma_start3A = arith.constant 0 : i32
      %dma_start3A_106 = tpu.memref_slice %arg8[%dma_start3A] : memref<144xi32, #tpu.memory_space<vmem>> -> memref<128xi32, #tpu.memory_space<vmem>>
      %dma_start3A_107 = arith.constant 0 : i32
      %dma_start3A_108 = tpu.memref_slice %arg8[%dma_start3A_107] : memref<144xi32, #tpu.memory_space<vmem>> -> memref<128xi32, #tpu.memory_space<vmem>>
      tpu.enqueue_dma source(%arg5 : memref<128xi32, #tpu.memory_space<hbm>>) target(%dma_start3A_108 : memref<128xi32, #tpu.memory_space<vmem>>) target_semaphore(%run_scoped3A : memref<!tpu.dma_semaphore, #tpu.memory_space<semaphore_mem>>)
      %dma_wait3A = arith.constant 0 : i32
      %dma_wait3A_109 = tpu.memref_slice %arg8[%dma_wait3A] : memref<144xi32, #tpu.memory_space<vmem>> -> memref<128xi32, #tpu.memory_space<vmem>>
      %dma_wait3A_110 = arith.constant 0 : i32
      %dma_wait3A_111 = tpu.memref_slice %arg8[%dma_wait3A_110] : memref<144xi32, #tpu.memory_space<vmem>> -> memref<128xi32, #tpu.memory_space<vmem>>
      tpu.wait_dma2 semaphore(%run_scoped3A : memref<!tpu.dma_semaphore, #tpu.memory_space<semaphore_mem>>) src(%arg5 : memref<128xi32, #tpu.memory_space<hbm>>) dst(%dma_wait3A_111 : memref<128xi32, #tpu.memory_space<vmem>>)
      tpu.yield
    }) : () -> ()
    "tpu.region"() ({
      %run_scoped3A = tpu.sem_alloc : memref<!tpu.dma_semaphore, #tpu.memory_space<semaphore_mem>>
      %dma_start3A = arith.constant 0 : i32
      %dma_start3A_106 = tpu.memref_slice %arg9[%dma_start3A] : memref<144xi32, #tpu.memory_space<vmem>> -> memref<128xi32, #tpu.memory_space<vmem>>
      %dma_start3A_107 = arith.constant 0 : i32
      %dma_start3A_108 = tpu.memref_slice %arg9[%dma_start3A_107] : memref<144xi32, #tpu.memory_space<vmem>> -> memref<128xi32, #tpu.memory_space<vmem>>
      tpu.enqueue_dma source(%arg6 : memref<128xi32, #tpu.memory_space<hbm>>) target(%dma_start3A_108 : memref<128xi32, #tpu.memory_space<vmem>>) target_semaphore(%run_scoped3A : memref<!tpu.dma_semaphore, #tpu.memory_space<semaphore_mem>>)
      %dma_wait3A = arith.constant 0 : i32
      %dma_wait3A_109 = tpu.memref_slice %arg9[%dma_wait3A] : memref<144xi32, #tpu.memory_space<vmem>> -> memref<128xi32, #tpu.memory_space<vmem>>
      %dma_wait3A_110 = arith.constant 0 : i32
      %dma_wait3A_111 = tpu.memref_slice %arg9[%dma_wait3A_110] : memref<144xi32, #tpu.memory_space<vmem>> -> memref<128xi32, #tpu.memory_space<vmem>>
      tpu.wait_dma2 semaphore(%run_scoped3A : memref<!tpu.dma_semaphore, #tpu.memory_space<semaphore_mem>>) src(%arg6 : memref<128xi32, #tpu.memory_space<hbm>>) dst(%dma_wait3A_111 : memref<128xi32, #tpu.memory_space<vmem>>)
      tpu.yield
    }) : () -> ()
    %mul3A_1 = arith.constant 4 : i32
    %mul3A_2 = arith.muli %add3A, %mul3A_1 : i32
    %add3A_3 = arith.constant 0 : i32
    %add3A_4 = arith.addi %mul3A_2, %add3A_3 : i32
    %get3A = arith.index_cast %add3A_4 : i32 to index
    %get3A_5 = tpu.vector_load %arg8[%get3A] {strides = array<i32>} : memref<144xi32, #tpu.memory_space<vmem>>, vector<16xi32>,
    %get3A_6 = vector.shape_cast %get3A_5 : vector<16xi32> to vector<16xi32>
    %slice3A = vector.extract_strided_slice %get3A_6 {offsets = [0], sizes = [1], strides = [1]} : vector<16xi32> to vector<1xi32>
    %squeeze3A = vector.extract %slice3A[0] : i32 from vector<1xi32>
    %jit3A = arith.constant 0 : i32
    %jit3A_7 = arith.constant 7952 : i32
    %max3A = arith.maxsi %jit3A, %squeeze3A : i32
    %min3A = arith.minsi %jit3A_7, %max3A : i32
    %get3A_8 = arith.index_cast %add3A_4 : i32 to index
    %get3A_9 = tpu.vector_load %arg9[%get3A_8] {strides = array<i32>} : memref<144xi32, #tpu.memory_space<vmem>>, vector<16xi32>,
    %get3A_10 = vector.shape_cast %get3A_9 : vector<16xi32> to vector<16xi32>
    %slice3A_11 = vector.extract_strided_slice %get3A_10 {offsets = [0], sizes = [1], strides = [1]} : vector<16xi32> to vector<1xi32>
    %squeeze3A_12 = vector.extract %slice3A_11[0] : i32 from vector<1xi32>
    "tpu.region"() ({
      %run_scoped3A = tpu.sem_alloc : memref<!tpu.dma_semaphore, #tpu.memory_space<semaphore_mem>>
      %dma_start3A = arith.constant 0 : i32
      %dma_start3A_106 = tpu.memref_slice %arg4[%squeeze3A_12, %dma_start3A] : memref<15x64xf32, #tpu.memory_space<hbm>> -> memref<1x64xf32, #tpu.memory_space<hbm>>
      %dma_start3A_107 = tpu.memref_squeeze %dma_start3A_106 : memref<1x64xf32, #tpu.memory_space<hbm>> -> memref<64xf32, #tpu.memory_space<hbm>>
      %dma_start3A_108 = arith.constant 0 : i32
      %dma_start3A_109 = tpu.memref_slice %arg4[%squeeze3A_12, %dma_start3A_108] : memref<15x64xf32, #tpu.memory_space<hbm>> -> memref<1x64xf32, #tpu.memory_space<hbm>>
      %dma_start3A_110 = tpu.memref_squeeze %dma_start3A_109 : memref<1x64xf32, #tpu.memory_space<hbm>> -> memref<64xf32, #tpu.memory_space<hbm>>
      tpu.enqueue_dma source(%dma_start3A_110 : memref<64xf32, #tpu.memory_space<hbm>>) target(%arg10 : memref<64xf32, #tpu.memory_space<vmem>>) target_semaphore(%run_scoped3A : memref<!tpu.dma_semaphore, #tpu.memory_space<semaphore_mem>>)
      %dma_wait3A = arith.constant 0 : i32
      %dma_wait3A_111 = tpu.memref_slice %arg4[%squeeze3A_12, %dma_wait3A] : memref<15x64xf32, #tpu.memory_space<hbm>> -> memref<1x64xf32, #tpu.memory_space<hbm>>
      %dma_wait3A_112 = tpu.memref_squeeze %dma_wait3A_111 : memref<1x64xf32, #tpu.memory_space<hbm>> -> memref<64xf32, #tpu.memory_space<hbm>>
      %dma_wait3A_113 = arith.constant 0 : i32
      %dma_wait3A_114 = tpu.memref_slice %arg4[%squeeze3A_12, %dma_wait3A_113] : memref<15x64xf32, #tpu.memory_space<hbm>> -> memref<1x64xf32, #tpu.memory_space<hbm>>
      %dma_wait3A_115 = tpu.memref_squeeze %dma_wait3A_114 : memref<1x64xf32, #tpu.memory_space<hbm>> -> memref<64xf32, #tpu.memory_space<hbm>>
      tpu.wait_dma2 semaphore(%run_scoped3A : memref<!tpu.dma_semaphore, #tpu.memory_space<semaphore_mem>>) src(%dma_wait3A_115 : memref<64xf32, #tpu.memory_space<hbm>>) dst(%arg10 : memref<64xf32, #tpu.memory_space<vmem>>)
      tpu.yield
    }) : () -> ()
    %scan3A = arith.constant 0 : i32
    %scan3A_13 = arith.constant 128 : i32
    %scan3A_14 = arith.addi %scan3A, %scan3A_13 : i32
    %scan3A_15 = arith.constant 1 : i32
    scf.for %scan3A_106 = %scan3A to %scan3A_14 step %scan3A_15  : i32 {
      %mul3A_107 = arith.constant 1 : i32
      %mul3A_108 = arith.muli %scan3A_106, %mul3A_107 : i32
      %add3A_109 = arith.constant 0 : i32
      %add3A_110 = arith.addi %add3A_109, %mul3A_108 : i32
      %get3A_111 = arith.constant 0 : index
      %get3A_112 = tpu.vector_load %arg10[%get3A_111] {strides = array<i32>} : memref<64xf32, #tpu.memory_space<vmem>>, vector<16xf32>,
      %get3A_113 = vector.shape_cast %get3A_112 : vector<16xf32> to vector<16xf32>
      %swap3A = arith.index_cast %add3A_110 : i32 to index
      %swap3A_114 = arith.constant 0 : index
      %swap3A_115 = tpu.vector_load %arg11[%swap3A, %swap3A_114] {strides = array<i32>} : memref<128x64xf32, #tpu.memory_space<vmem>>, vector<1x16xf32>,
      %swap3A_116 = vector.shape_cast %swap3A_115 : vector<1x16xf32> to vector<16xf32>
      %swap3A_117 = vector.shape_cast %get3A_113 : vector<16xf32> to vector<1x16xf32>
      tpu.vector_store %arg11[%swap3A, %swap3A_114], %swap3A_117 {strides = array<i32>} : memref<128x64xf32, #tpu.memory_space<vmem>>, vector<1x16xf32>,
      %get3A_118 = arith.constant 16 : index
      %get3A_119 = tpu.vector_load %arg10[%get3A_118] {strides = array<i32>} : memref<64xf32, #tpu.memory_space<vmem>>, vector<16xf32>,
      %get3A_120 = vector.shape_cast %get3A_119 : vector<16xf32> to vector<16xf32>
      %swap3A_121 = arith.index_cast %add3A_110 : i32 to index
      %swap3A_122 = arith.constant 16 : index
      %swap3A_123 = tpu.vector_load %arg11[%swap3A_121, %swap3A_122] {strides = array<i32>} : memref<128x64xf32, #tpu.memory_space<vmem>>, vector<1x16xf32>,
      %swap3A_124 = vector.shape_cast %swap3A_123 : vector<1x16xf32> to vector<16xf32>
      %swap3A_125 = vector.shape_cast %get3A_120 : vector<16xf32> to vector<1x16xf32>
      tpu.vector_store %arg11[%swap3A_121, %swap3A_122], %swap3A_125 {strides = array<i32>} : memref<128x64xf32, #tpu.memory_space<vmem>>, vector<1x16xf32>,
      %get3A_126 = arith.constant 32 : index
      %get3A_127 = tpu.vector_load %arg10[%get3A_126] {strides = array<i32>} : memref<64xf32, #tpu.memory_space<vmem>>, vector<16xf32>,
      %get3A_128 = vector.shape_cast %get3A_127 : vector<16xf32> to vector<16xf32>
      %swap3A_129 = arith.index_cast %add3A_110 : i32 to index
      %swap3A_130 = arith.constant 32 : index
      %swap3A_131 = tpu.vector_load %arg11[%swap3A_129, %swap3A_130] {strides = array<i32>} : memref<128x64xf32, #tpu.memory_space<vmem>>, vector<1x16xf32>,
      %swap3A_132 = vector.shape_cast %swap3A_131 : vector<1x16xf32> to vector<16xf32>
      %swap3A_133 = vector.shape_cast %get3A_128 : vector<16xf32> to vector<1x16xf32>
      tpu.vector_store %arg11[%swap3A_129, %swap3A_130], %swap3A_133 {strides = array<i32>} : memref<128x64xf32, #tpu.memory_space<vmem>>, vector<1x16xf32>,
      %get3A_134 = arith.constant 48 : index
      %get3A_135 = tpu.vector_load %arg10[%get3A_134] {strides = array<i32>} : memref<64xf32, #tpu.memory_space<vmem>>, vector<16xf32>,
      %get3A_136 = vector.shape_cast %get3A_135 : vector<16xf32> to vector<16xf32>
      %swap3A_137 = arith.index_cast %add3A_110 : i32 to index
      %swap3A_138 = arith.constant 48 : index
      %swap3A_139 = tpu.vector_load %arg11[%swap3A_137, %swap3A_138] {strides = array<i32>} : memref<128x64xf32, #tpu.memory_space<vmem>>, vector<1x16xf32>,
      %swap3A_140 = vector.shape_cast %swap3A_139 : vector<1x16xf32> to vector<16xf32>
      %swap3A_141 = vector.shape_cast %get3A_136 : vector<16xf32> to vector<1x16xf32>
      tpu.vector_store %arg11[%swap3A_137, %swap3A_138], %swap3A_141 {strides = array<i32>} : memref<128x64xf32, #tpu.memory_space<vmem>>, vector<1x16xf32>,
    }
    %scan3A_16 = arith.constant 128 : i32
    %scan3A_17 = arith.constant 0 : i32
    %scan3A_18 = arith.constant 16 : i32
    %scan3A_19 = arith.addi %scan3A_17, %scan3A_18 : i32
    %scan3A_20 = arith.constant 1 : i32
    scf.for %scan3A_106 = %scan3A_17 to %scan3A_19 step %scan3A_20  : i32 {
      %mul3A_107 = arith.constant 1 : i32
      %mul3A_108 = arith.muli %scan3A_106, %mul3A_107 : i32
      %add3A_109 = arith.constant 0 : i32
      %add3A_110 = arith.addi %add3A_109, %mul3A_108 : i32
      %mul3A_111 = arith.constant 128 : i32
      %mul3A_112 = arith.muli %add3A_110, %mul3A_111 : i32
      %mul3A_113 = arith.constant 2048 : i32
      %mul3A_114 = arith.muli %add3A_4, %mul3A_113 : i32
      %add3A_115 = arith.addi %mul3A_114, %mul3A_112 : i32
      "tpu.region"() ({
        %run_scoped3A = tpu.sem_alloc : memref<!tpu.dma_semaphore, #tpu.memory_space<semaphore_mem>>
        %dma_start3A = arith.constant 0 : i32
        %dma_start3A_117 = tpu.memref_slice %arg2[%add3A_115, %dma_start3A] : memref<262144x128xf32, #tpu.memory_space<hbm>> -> memref<128x128xf32, #tpu.memory_space<hbm>>
        %dma_start3A_118 = arith.constant 0 : i32
        %dma_start3A_119 = tpu.memref_slice %arg2[%add3A_115, %dma_start3A_118] : memref<262144x128xf32, #tpu.memory_space<hbm>> -> memref<128x128xf32, #tpu.memory_space<hbm>>
        tpu.enqueue_dma source(%dma_start3A_119 : memref<128x128xf32, #tpu.memory_space<hbm>>) target(%arg12 : memref<128x128xf32, #tpu.memory_space<vmem>>) target_semaphore(%run_scoped3A : memref<!tpu.dma_semaphore, #tpu.memory_space<semaphore_mem>>)
        %dma_wait3A = arith.constant 0 : i32
        %dma_wait3A_120 = tpu.memref_slice %arg2[%add3A_115, %dma_wait3A] : memref<262144x128xf32, #tpu.memory_space<hbm>> -> memref<128x128xf32, #tpu.memory_space<hbm>>
        %dma_wait3A_121 = arith.constant 0 : i32
        %dma_wait3A_122 = tpu.memref_slice %arg2[%add3A_115, %dma_wait3A_121] : memref<262144x128xf32, #tpu.memory_space<hbm>> -> memref<128x128xf32, #tpu.memory_space<hbm>>
        tpu.wait_dma2 semaphore(%run_scoped3A : memref<!tpu.dma_semaphore, #tpu.memory_space<semaphore_mem>>) src(%dma_wait3A_122 : memref<128x128xf32, #tpu.memory_space<hbm>>) dst(%arg12 : memref<128x128xf32, #tpu.memory_space<vmem>>)
        tpu.yield
      }) : () -> ()
      "tpu.region"() ({
        %run_scoped3A = tpu.sem_alloc : memref<!tpu.dma_semaphore, #tpu.memory_space<semaphore_mem>>
        %dma_start3A = arith.constant 0 : i32
        %dma_start3A_117 = tpu.memref_slice %arg7[%add3A_4, %mul3A_112, %dma_start3A] : memref<128x2048x448xf32, #tpu.memory_space<hbm>> -> memref<1x128x128xf32, #tpu.memory_space<hbm>>
        %dma_start3A_118 = tpu.memref_squeeze %dma_start3A_117 : memref<1x128x128xf32, #tpu.memory_space<hbm>> -> memref<128x128xf32, #tpu.memory_space<hbm>>
        %dma_start3A_119 = arith.constant 0 : i32
        %dma_start3A_120 = tpu.memref_slice %arg7[%add3A_4, %mul3A_112, %dma_start3A_119] : memref<128x2048x448xf32, #tpu.memory_space<hbm>> -> memref<1x128x128xf32, #tpu.memory_space<hbm>>
        %dma_start3A_121 = tpu.memref_squeeze %dma_start3A_120 : memref<1x128x128xf32, #tpu.memory_space<hbm>> -> memref<128x128xf32, #tpu.memory_space<hbm>>
        tpu.enqueue_dma source(%arg12 : memref<128x128xf32, #tpu.memory_space<vmem>>) target(%dma_start3A_121 : memref<128x128xf32, #tpu.memory_space<hbm>>) target_semaphore(%run_scoped3A : memref<!tpu.dma_semaphore, #tpu.memory_space<semaphore_mem>>)
        %dma_wait3A = arith.constant 0 : i32
        %dma_wait3A_122 = tpu.memref_slice %arg7[%add3A_4, %mul3A_112, %dma_wait3A] : memref<128x2048x448xf32, #tpu.memory_space<hbm>> -> memref<1x128x128xf32, #tpu.memory_space<hbm>>
        %dma_wait3A_123 = tpu.memref_squeeze %dma_wait3A_122 : memref<1x128x128xf32, #tpu.memory_space<hbm>> -> memref<128x128xf32, #tpu.memory_space<hbm>>
        %dma_wait3A_124 = arith.constant 0 : i32
        %dma_wait3A_125 = tpu.memref_slice %arg7[%add3A_4, %mul3A_112, %dma_wait3A_124] : memref<128x2048x448xf32, #tpu.memory_space<hbm>> -> memref<1x128x128xf32, #tpu.memory_space<hbm>>
        %dma_wait3A_126 = tpu.memref_squeeze %dma_wait3A_125 : memref<1x128x128xf32, #tpu.memory_space<hbm>> -> memref<128x128xf32, #tpu.memory_space<hbm>>
        tpu.wait_dma2 semaphore(%run_scoped3A : memref<!tpu.dma_semaphore, #tpu.memory_space<semaphore_mem>>) src(%arg12 : memref<128x128xf32, #tpu.memory_space<vmem>>) dst(%dma_wait3A_126 : memref<128x128xf32, #tpu.memory_space<hbm>>)
        tpu.yield
      }) : () -> ()
      %add3A_116 = arith.addi %min3A, %mul3A_112 : i32
      "tpu.region"() ({
        %run_scoped3A = tpu.sem_alloc : memref<!tpu.dma_semaphore, #tpu.memory_space<semaphore_mem>>
        %dma_start3A = arith.constant 0 : i32
        %dma_start3A_117 = tpu.memref_slice %arg3[%add3A_116, %dma_start3A] : memref<10000x256xf32, #tpu.memory_space<hbm>> -> memref<128x256xf32, #tpu.memory_space<hbm>>
        %dma_start3A_118 = arith.constant 0 : i32
        %dma_start3A_119 = tpu.memref_slice %arg3[%add3A_116, %dma_start3A_118] : memref<10000x256xf32, #tpu.memory_space<hbm>> -> memref<128x256xf32, #tpu.memory_space<hbm>>
        tpu.enqueue_dma source(%dma_start3A_119 : memref<128x256xf32, #tpu.memory_space<hbm>>) target(%arg13 : memref<128x256xf32, #tpu.memory_space<vmem>>) target_semaphore(%run_scoped3A : memref<!tpu.dma_semaphore, #tpu.memory_space<semaphore_mem>>)
        %dma_wait3A = arith.constant 0 : i32
        %dma_wait3A_120 = tpu.memref_slice %arg3[%add3A_116, %dma_wait3A] : memref<10000x256xf32, #tpu.memory_space<hbm>> -> memref<128x256xf32, #tpu.memory_space<hbm>>
        %dma_wait3A_121 = arith.constant 0 : i32
        %dma_wait3A_122 = tpu.memref_slice %arg3[%add3A_116, %dma_wait3A_121] : memref<10000x256xf32, #tpu.memory_space<hbm>> -> memref<128x256xf32, #tpu.memory_space<hbm>>
        tpu.wait_dma2 semaphore(%run_scoped3A : memref<!tpu.dma_semaphore, #tpu.memory_space<semaphore_mem>>) src(%dma_wait3A_122 : memref<128x256xf32, #tpu.memory_space<hbm>>) dst(%arg13 : memref<128x256xf32, #tpu.memory_space<vmem>>)
        tpu.yield
      }) : () -> ()
      "tpu.region"() ({
        %run_scoped3A = tpu.sem_alloc : memref<!tpu.dma_semaphore, #tpu.memory_space<semaphore_mem>>
        %dma_start3A = arith.constant 128 : i32
        %dma_start3A_117 = tpu.memref_slice %arg7[%add3A_4, %mul3A_112, %dma_start3A] : memref<128x2048x448xf32, #tpu.memory_space<hbm>> -> memref<1x128x256xf32, #tpu.memory_space<hbm>>
        %dma_start3A_118 = tpu.memref_squeeze %dma_start3A_117 : memref<1x128x256xf32, #tpu.memory_space<hbm>> -> memref<128x256xf32, #tpu.memory_space<hbm>>
        %dma_start3A_119 = arith.constant 128 : i32
        %dma_start3A_120 = tpu.memref_slice %arg7[%add3A_4, %mul3A_112, %dma_start3A_119] : memref<128x2048x448xf32, #tpu.memory_space<hbm>> -> memref<1x128x256xf32, #tpu.memory_space<hbm>>
        %dma_start3A_121 = tpu.memref_squeeze %dma_start3A_120 : memref<1x128x256xf32, #tpu.memory_space<hbm>> -> memref<128x256xf32, #tpu.memory_space<hbm>>
        tpu.enqueue_dma source(%arg13 : memref<128x256xf32, #tpu.memory_space<vmem>>) target(%dma_start3A_121 : memref<128x256xf32, #tpu.memory_space<hbm>>) target_semaphore(%run_scoped3A : memref<!tpu.dma_semaphore, #tpu.memory_space<semaphore_mem>>)
        %dma_wait3A = arith.constant 128 : i32
        %dma_wait3A_122 = tpu.memref_slice %arg7[%add3A_4, %mul3A_112, %dma_wait3A] : memref<128x2048x448xf32, #tpu.memory_space<hbm>> -> memref<1x128x256xf32, #tpu.memory_space<hbm>>
        %dma_wait3A_123 = tpu.memref_squeeze %dma_wait3A_122 : memref<1x128x256xf32, #tpu.memory_space<hbm>> -> memref<128x256xf32, #tpu.memory_space<hbm>>
        %dma_wait3A_124 = arith.constant 128 : i32
        %dma_wait3A_125 = tpu.memref_slice %arg7[%add3A_4, %mul3A_112, %dma_wait3A_124] : memref<128x2048x448xf32, #tpu.memory_space<hbm>> -> memref<1x128x256xf32, #tpu.memory_space<hbm>>
        %dma_wait3A_126 = tpu.memref_squeeze %dma_wait3A_125 : memref<1x128x256xf32, #tpu.memory_space<hbm>> -> memref<128x256xf32, #tpu.memory_space<hbm>>
        tpu.wait_dma2 semaphore(%run_scoped3A : memref<!tpu.dma_semaphore, #tpu.memory_space<semaphore_mem>>) src(%arg13 : memref<128x256xf32, #tpu.memory_space<vmem>>) dst(%dma_wait3A_126 : memref<128x256xf32, #tpu.memory_space<hbm>>)
        tpu.yield
      }) : () -> ()
      "tpu.region"() ({
        %run_scoped3A = tpu.sem_alloc : memref<!tpu.dma_semaphore, #tpu.memory_space<semaphore_mem>>
        %dma_start3A = arith.constant 384 : i32
        %dma_start3A_117 = tpu.memref_slice %arg7[%add3A_4, %mul3A_112, %dma_start3A] : memref<128x2048x448xf32, #tpu.memory_space<hbm>> -> memref<1x128x64xf32, #tpu.memory_space<hbm>>
        %dma_start3A_118 = tpu.memref_squeeze %dma_start3A_117 : memref<1x128x64xf32, #tpu.memory_space<hbm>> -> memref<128x64xf32, #tpu.memory_space<hbm>>
        %dma_start3A_119 = arith.constant 384 : i32
        %dma_start3A_120 = tpu.memref_slice %arg7[%add3A_4, %mul3A_112, %dma_start3A_119] : memref<128x2048x448xf32, #tpu.memory_space<hbm>> -> memref<1x128x64xf32, #tpu.memory_space<hbm>>
        %dma_start3A_121 = tpu.memref_squeeze %dma_start3A_120 : memref<1x128x64xf32, #tpu.memory_space<hbm>> -> memref<128x64xf32, #tpu.memory_space<hbm>>
        tpu.enqueue_dma source(%arg11 : memref<128x64xf32, #tpu.memory_space<vmem>>) target(%dma_start3A_121 : memref<128x64xf32, #tpu.memory_space<hbm>>) target_semaphore(%run_scoped3A : memref<!tpu.dma_semaphore, #tpu.memory_space<semaphore_mem>>)
        %dma_wait3A = arith.constant 384 : i32
        %dma_wait3A_122 = tpu.memref_slice %arg7[%add3A_4, %mul3A_112, %dma_wait3A] : memref<128x2048x448xf32, #tpu.memory_space<hbm>> -> memref<1x128x64xf32, #tpu.memory_space<hbm>>
        %dma_wait3A_123 = tpu.memref_squeeze %dma_wait3A_122 : memref<1x128x64xf32, #tpu.memory_space<hbm>> -> memref<128x64xf32, #tpu.memory_space<hbm>>
        %dma_wait3A_124 = arith.constant 384 : i32
        %dma_wait3A_125 = tpu.memref_slice %arg7[%add3A_4, %mul3A_112, %dma_wait3A_124] : memref<128x2048x448xf32, #tpu.memory_space<hbm>> -> memref<1x128x64xf32, #tpu.memory_space<hbm>>
        %dma_wait3A_126 = tpu.memref_squeeze %dma_wait3A_125 : memref<1x128x64xf32, #tpu.memory_space<hbm>> -> memref<128x64xf32, #tpu.memory_space<hbm>>
        tpu.wait_dma2 semaphore(%run_scoped3A : memref<!tpu.dma_semaphore, #tpu.memory_space<semaphore_mem>>) src(%arg11 : memref<128x64xf32, #tpu.memory_space<vmem>>) dst(%dma_wait3A_126 : memref<128x64xf32, #tpu.memory_space<hbm>>)
        tpu.yield
      }) : () -> ()
    }
    %scan3A_21 = arith.constant 16 : i32
    %mul3A_22 = arith.constant 4 : i32
    %mul3A_23 = arith.muli %add3A, %mul3A_22 : i32
    %add3A_24 = arith.constant 1 : i32
    %add3A_25 = arith.addi %mul3A_23, %add3A_24 : i32
    %get3A_26 = arith.index_cast %add3A_25 : i32 to index
    %get3A_27 = tpu.vector_load %arg8[%get3A_26] {strides = array<i32>} : memref<144xi32, #tpu.memory_space<vmem>>, vector<16xi32>,
    %get3A_28 = vector.shape_cast %get3A_27 : vector<16xi32> to vector<16xi32>
    %slice3A_29 = vector.extract_strided_slice %get3A_28 {offsets = [0], sizes = [1], strides = [1]} : vector<16xi32> to vector<1xi32>
    %squeeze3A_30 = vector.extract %slice3A_29[0] : i32 from vector<1xi32>
    %jit3A_31 = arith.constant 0 : i32
    %jit3A_32 = arith.constant 7952 : i32
    %max3A_33 = arith.maxsi %jit3A_31, %squeeze3A_30 : i32
    %min3A_34 = arith.minsi %jit3A_32, %max3A_33 : i32
    %get3A_35 = arith.index_cast %add3A_25 : i32 to index
    %get3A_36 = tpu.vector_load %arg9[%get3A_35] {strides = array<i32>} : memref<144xi32, #tpu.memory_space<vmem>>, vector<16xi32>,
    %get3A_37 = vector.shape_cast %get3A_36 : vector<16xi32> to vector<16xi32>
    %slice3A_38 = vector.extract_strided_slice %get3A_37 {offsets = [0], sizes = [1], strides = [1]} : vector<16xi32> to vector<1xi32>
    %squeeze3A_39 = vector.extract %slice3A_38[0] : i32 from vector<1xi32>
    "tpu.region"() ({
      %run_scoped3A = tpu.sem_alloc : memref<!tpu.dma_semaphore, #tpu.memory_space<semaphore_mem>>
      %dma_start3A = arith.constant 0 : i32
      %dma_start3A_106 = tpu.memref_slice %arg4[%squeeze3A_39, %dma_start3A] : memref<15x64xf32, #tpu.memory_space<hbm>> -> memref<1x64xf32, #tpu.memory_space<hbm>>
      %dma_start3A_107 = tpu.memref_squeeze %dma_start3A_106 : memref<1x64xf32, #tpu.memory_space<hbm>> -> memref<64xf32, #tpu.memory_space<hbm>>
      %dma_start3A_108 = arith.constant 0 : i32
      %dma_start3A_109 = tpu.memref_slice %arg4[%squeeze3A_39, %dma_start3A_108] : memref<15x64xf32, #tpu.memory_space<hbm>> -> memref<1x64xf32, #tpu.memory_space<hbm>>
      %dma_start3A_110 = tpu.memref_squeeze %dma_start3A_109 : memref<1x64xf32, #tpu.memory_space<hbm>> -> memref<64xf32, #tpu.memory_space<hbm>>
      tpu.enqueue_dma source(%dma_start3A_110 : memref<64xf32, #tpu.memory_space<hbm>>) target(%arg10 : memref<64xf32, #tpu.memory_space<vmem>>) target_semaphore(%run_scoped3A : memref<!tpu.dma_semaphore, #tpu.memory_space<semaphore_mem>>)
      %dma_wait3A = arith.constant 0 : i32
      %dma_wait3A_111 = tpu.memref_slice %arg4[%squeeze3A_39, %dma_wait3A] : memref<15x64xf32, #tpu.memory_space<hbm>> -> memref<1x64xf32, #tpu.memory_space<hbm>>
      %dma_wait3A_112 = tpu.memref_squeeze %dma_wait3A_111 : memref<1x64xf32, #tpu.memory_space<hbm>> -> memref<64xf32, #tpu.memory_space<hbm>>
      %dma_wait3A_113 = arith.constant 0 : i32
      %dma_wait3A_114 = tpu.memref_slice %arg4[%squeeze3A_39, %dma_wait3A_113] : memref<15x64xf32, #tpu.memory_space<hbm>> -> memref<1x64xf32, #tpu.memory_space<hbm>>
      %dma_wait3A_115 = tpu.memref_squeeze %dma_wait3A_114 : memref<1x64xf32, #tpu.memory_space<hbm>> -> memref<64xf32, #tpu.memory_space<hbm>>
      tpu.wait_dma2 semaphore(%run_scoped3A : memref<!tpu.dma_semaphore, #tpu.memory_space<semaphore_mem>>) src(%dma_wait3A_115 : memref<64xf32, #tpu.memory_space<hbm>>) dst(%arg10 : memref<64xf32, #tpu.memory_space<vmem>>)
      tpu.yield
    }) : () -> ()
    %scan3A_40 = arith.constant 0 : i32
    %scan3A_41 = arith.constant 128 : i32
    %scan3A_42 = arith.addi %scan3A_40, %scan3A_41 : i32
    %scan3A_43 = arith.constant 1 : i32
    scf.for %scan3A_106 = %scan3A_40 to %scan3A_42 step %scan3A_43  : i32 {
      %mul3A_107 = arith.constant 1 : i32
      %mul3A_108 = arith.muli %scan3A_106, %mul3A_107 : i32
      %add3A_109 = arith.constant 0 : i32
      %add3A_110 = arith.addi %add3A_109, %mul3A_108 : i32
      %get3A_111 = arith.constant 0 : index
      %get3A_112 = tpu.vector_load %arg10[%get3A_111] {strides = array<i32>} : memref<64xf32, #tpu.memory_space<vmem>>, vector<16xf32>,
      %get3A_113 = vector.shape_cast %get3A_112 : vector<16xf32> to vector<16xf32>
      %swap3A = arith.index_cast %add3A_110 : i32 to index
      %swap3A_114 = arith.constant 0 : index
      %swap3A_115 = tpu.vector_load %arg11[%swap3A, %swap3A_114] {strides = array<i32>} : memref<128x64xf32, #tpu.memory_space<vmem>>, vector<1x16xf32>,
      %swap3A_116 = vector.shape_cast %swap3A_115 : vector<1x16xf32> to vector<16xf32>
      %swap3A_117 = vector.shape_cast %get3A_113 : vector<16xf32> to vector<1x16xf32>
      tpu.vector_store %arg11[%swap3A, %swap3A_114], %swap3A_117 {strides = array<i32>} : memref<128x64xf32, #tpu.memory_space<vmem>>, vector<1x16xf32>,
      %get3A_118 = arith.constant 16 : index
      %get3A_119 = tpu.vector_load %arg10[%get3A_118] {strides = array<i32>} : memref<64xf32, #tpu.memory_space<vmem>>, vector<16xf32>,
      %get3A_120 = vector.shape_cast %get3A_119 : vector<16xf32> to vector<16xf32>
      %swap3A_121 = arith.index_cast %add3A_110 : i32 to index
      %swap3A_122 = arith.constant 16 : index
      %swap3A_123 = tpu.vector_load %arg11[%swap3A_121, %swap3A_122] {strides = array<i32>} : memref<128x64xf32, #tpu.memory_space<vmem>>, vector<1x16xf32>,
      %swap3A_124 = vector.shape_cast %swap3A_123 : vector<1x16xf32> to vector<16xf32>
      %swap3A_125 = vector.shape_cast %get3A_120 : vector<16xf32> to vector<1x16xf32>
      tpu.vector_store %arg11[%swap3A_121, %swap3A_122], %swap3A_125 {strides = array<i32>} : memref<128x64xf32, #tpu.memory_space<vmem>>, vector<1x16xf32>,
      %get3A_126 = arith.constant 32 : index
      %get3A_127 = tpu.vector_load %arg10[%get3A_126] {strides = array<i32>} : memref<64xf32, #tpu.memory_space<vmem>>, vector<16xf32>,
      %get3A_128 = vector.shape_cast %get3A_127 : vector<16xf32> to vector<16xf32>
      %swap3A_129 = arith.index_cast %add3A_110 : i32 to index
      %swap3A_130 = arith.constant 32 : index
      %swap3A_131 = tpu.vector_load %arg11[%swap3A_129, %swap3A_130] {strides = array<i32>} : memref<128x64xf32, #tpu.memory_space<vmem>>, vector<1x16xf32>,
      %swap3A_132 = vector.shape_cast %swap3A_131 : vector<1x16xf32> to vector<16xf32>
      %swap3A_133 = vector.shape_cast %get3A_128 : vector<16xf32> to vector<1x16xf32>
      tpu.vector_store %arg11[%swap3A_129, %swap3A_130], %swap3A_133 {strides = array<i32>} : memref<128x64xf32, #tpu.memory_space<vmem>>, vector<1x16xf32>,
      %get3A_134 = arith.constant 48 : index
      %get3A_135 = tpu.vector_load %arg10[%get3A_134] {strides = array<i32>} : memref<64xf32, #tpu.memory_space<vmem>>, vector<16xf32>,
      %get3A_136 = vector.shape_cast %get3A_135 : vector<16xf32> to vector<16xf32>
      %swap3A_137 = arith.index_cast %add3A_110 : i32 to index
      %swap3A_138 = arith.constant 48 : index
      %swap3A_139 = tpu.vector_load %arg11[%swap3A_137, %swap3A_138] {strides = array<i32>} : memref<128x64xf32, #tpu.memory_space<vmem>>, vector<1x16xf32>,
      %swap3A_140 = vector.shape_cast %swap3A_139 : vector<1x16xf32> to vector<16xf32>
      %swap3A_141 = vector.shape_cast %get3A_136 : vector<16xf32> to vector<1x16xf32>
      tpu.vector_store %arg11[%swap3A_137, %swap3A_138], %swap3A_141 {strides = array<i32>} : memref<128x64xf32, #tpu.memory_space<vmem>>, vector<1x16xf32>,
    }
    %scan3A_44 = arith.constant 128 : i32
    %scan3A_45 = arith.constant 0 : i32
    %scan3A_46 = arith.constant 16 : i32
    %scan3A_47 = arith.addi %scan3A_45, %scan3A_46 : i32
    %scan3A_48 = arith.constant 1 : i32
    scf.for %scan3A_106 = %scan3A_45 to %scan3A_47 step %scan3A_48  : i32 {
      %mul3A_107 = arith.constant 1 : i32
      %mul3A_108 = arith.muli %scan3A_106, %mul3A_107 : i32
      %add3A_109 = arith.constant 0 : i32
      %add3A_110 = arith.addi %add3A_109, %mul3A_108 : i32
      %mul3A_111 = arith.constant 128 : i32
      %mul3A_112 = arith.muli %add3A_110, %mul3A_111 : i32
      %mul3A_113 = arith.constant 2048 : i32
      %mul3A_114 = arith.muli %add3A_25, %mul3A_113 : i32
      %add3A_115 = arith.addi %mul3A_114, %mul3A_112 : i32
      "tpu.region"() ({
        %run_scoped3A = tpu.sem_alloc : memref<!tpu.dma_semaphore, #tpu.memory_space<semaphore_mem>>
        %dma_start3A = arith.constant 0 : i32
        %dma_start3A_117 = tpu.memref_slice %arg2[%add3A_115, %dma_start3A] : memref<262144x128xf32, #tpu.memory_space<hbm>> -> memref<128x128xf32, #tpu.memory_space<hbm>>
        %dma_start3A_118 = arith.constant 0 : i32
        %dma_start3A_119 = tpu.memref_slice %arg2[%add3A_115, %dma_start3A_118] : memref<262144x128xf32, #tpu.memory_space<hbm>> -> memref<128x128xf32, #tpu.memory_space<hbm>>
        tpu.enqueue_dma source(%dma_start3A_119 : memref<128x128xf32, #tpu.memory_space<hbm>>) target(%arg12 : memref<128x128xf32, #tpu.memory_space<vmem>>) target_semaphore(%run_scoped3A : memref<!tpu.dma_semaphore, #tpu.memory_space<semaphore_mem>>)
        %dma_wait3A = arith.constant 0 : i32
        %dma_wait3A_120 = tpu.memref_slice %arg2[%add3A_115, %dma_wait3A] : memref<262144x128xf32, #tpu.memory_space<hbm>> -> memref<128x128xf32, #tpu.memory_space<hbm>>
        %dma_wait3A_121 = arith.constant 0 : i32
        %dma_wait3A_122 = tpu.memref_slice %arg2[%add3A_115, %dma_wait3A_121] : memref<262144x128xf32, #tpu.memory_space<hbm>> -> memref<128x128xf32, #tpu.memory_space<hbm>>
        tpu.wait_dma2 semaphore(%run_scoped3A : memref<!tpu.dma_semaphore, #tpu.memory_space<semaphore_mem>>) src(%dma_wait3A_122 : memref<128x128xf32, #tpu.memory_space<hbm>>) dst(%arg12 : memref<128x128xf32, #tpu.memory_space<vmem>>)
        tpu.yield
      }) : () -> ()
      "tpu.region"() ({
        %run_scoped3A = tpu.sem_alloc : memref<!tpu.dma_semaphore, #tpu.memory_space<semaphore_mem>>
        %dma_start3A = arith.constant 0 : i32
        %dma_start3A_117 = tpu.memref_slice %arg7[%add3A_25, %mul3A_112, %dma_start3A] : memref<128x2048x448xf32, #tpu.memory_space<hbm>> -> memref<1x128x128xf32, #tpu.memory_space<hbm>>
        %dma_start3A_118 = tpu.memref_squeeze %dma_start3A_117 : memref<1x128x128xf32, #tpu.memory_space<hbm>> -> memref<128x128xf32, #tpu.memory_space<hbm>>
        %dma_start3A_119 = arith.constant 0 : i32
        %dma_start3A_120 = tpu.memref_slice %arg7[%add3A_25, %mul3A_112, %dma_start3A_119] : memref<128x2048x448xf32, #tpu.memory_space<hbm>> -> memref<1x128x128xf32, #tpu.memory_space<hbm>>
        %dma_start3A_121 = tpu.memref_squeeze %dma_start3A_120 : memref<1x128x128xf32, #tpu.memory_space<hbm>> -> memref<128x128xf32, #tpu.memory_space<hbm>>
        tpu.enqueue_dma source(%arg12 : memref<128x128xf32, #tpu.memory_space<vmem>>) target(%dma_start3A_121 : memref<128x128xf32, #tpu.memory_space<hbm>>) target_semaphore(%run_scoped3A : memref<!tpu.dma_semaphore, #tpu.memory_space<semaphore_mem>>)
        %dma_wait3A = arith.constant 0 : i32
        %dma_wait3A_122 = tpu.memref_slice %arg7[%add3A_25, %mul3A_112, %dma_wait3A] : memref<128x2048x448xf32, #tpu.memory_space<hbm>> -> memref<1x128x128xf32, #tpu.memory_space<hbm>>
        %dma_wait3A_123 = tpu.memref_squeeze %dma_wait3A_122 : memref<1x128x128xf32, #tpu.memory_space<hbm>> -> memref<128x128xf32, #tpu.memory_space<hbm>>
        %dma_wait3A_124 = arith.constant 0 : i32
        %dma_wait3A_125 = tpu.memref_slice %arg7[%add3A_25, %mul3A_112, %dma_wait3A_124] : memref<128x2048x448xf32, #tpu.memory_space<hbm>> -> memref<1x128x128xf32, #tpu.memory_space<hbm>>
        %dma_wait3A_126 = tpu.memref_squeeze %dma_wait3A_125 : memref<1x128x128xf32, #tpu.memory_space<hbm>> -> memref<128x128xf32, #tpu.memory_space<hbm>>
        tpu.wait_dma2 semaphore(%run_scoped3A : memref<!tpu.dma_semaphore, #tpu.memory_space<semaphore_mem>>) src(%arg12 : memref<128x128xf32, #tpu.memory_space<vmem>>) dst(%dma_wait3A_126 : memref<128x128xf32, #tpu.memory_space<hbm>>)
        tpu.yield
      }) : () -> ()
      %add3A_116 = arith.addi %min3A_34, %mul3A_112 : i32
      "tpu.region"() ({
        %run_scoped3A = tpu.sem_alloc : memref<!tpu.dma_semaphore, #tpu.memory_space<semaphore_mem>>
        %dma_start3A = arith.constant 0 : i32
        %dma_start3A_117 = tpu.memref_slice %arg3[%add3A_116, %dma_start3A] : memref<10000x256xf32, #tpu.memory_space<hbm>> -> memref<128x256xf32, #tpu.memory_space<hbm>>
        %dma_start3A_118 = arith.constant 0 : i32
        %dma_start3A_119 = tpu.memref_slice %arg3[%add3A_116, %dma_start3A_118] : memref<10000x256xf32, #tpu.memory_space<hbm>> -> memref<128x256xf32, #tpu.memory_space<hbm>>
        tpu.enqueue_dma source(%dma_start3A_119 : memref<128x256xf32, #tpu.memory_space<hbm>>) target(%arg13 : memref<128x256xf32, #tpu.memory_space<vmem>>) target_semaphore(%run_scoped3A : memref<!tpu.dma_semaphore, #tpu.memory_space<semaphore_mem>>)
        %dma_wait3A = arith.constant 0 : i32
        %dma_wait3A_120 = tpu.memref_slice %arg3[%add3A_116, %dma_wait3A] : memref<10000x256xf32, #tpu.memory_space<hbm>> -> memref<128x256xf32, #tpu.memory_space<hbm>>
        %dma_wait3A_121 = arith.constant 0 : i32
        %dma_wait3A_122 = tpu.memref_slice %arg3[%add3A_116, %dma_wait3A_121] : memref<10000x256xf32, #tpu.memory_space<hbm>> -> memref<128x256xf32, #tpu.memory_space<hbm>>
        tpu.wait_dma2 semaphore(%run_scoped3A : memref<!tpu.dma_semaphore, #tpu.memory_space<semaphore_mem>>) src(%dma_wait3A_122 : memref<128x256xf32, #tpu.memory_space<hbm>>) dst(%arg13 : memref<128x256xf32, #tpu.memory_space<vmem>>)
        tpu.yield
      }) : () -> ()
      "tpu.region"() ({
        %run_scoped3A = tpu.sem_alloc : memref<!tpu.dma_semaphore, #tpu.memory_space<semaphore_mem>>
        %dma_start3A = arith.constant 128 : i32
        %dma_start3A_117 = tpu.memref_slice %arg7[%add3A_25, %mul3A_112, %dma_start3A] : memref<128x2048x448xf32, #tpu.memory_space<hbm>> -> memref<1x128x256xf32, #tpu.memory_space<hbm>>
        %dma_start3A_118 = tpu.memref_squeeze %dma_start3A_117 : memref<1x128x256xf32, #tpu.memory_space<hbm>> -> memref<128x256xf32, #tpu.memory_space<hbm>>
        %dma_start3A_119 = arith.constant 128 : i32
        %dma_start3A_120 = tpu.memref_slice %arg7[%add3A_25, %mul3A_112, %dma_start3A_119] : memref<128x2048x448xf32, #tpu.memory_space<hbm>> -> memref<1x128x256xf32, #tpu.memory_space<hbm>>
        %dma_start3A_121 = tpu.memref_squeeze %dma_start3A_120 : memref<1x128x256xf32, #tpu.memory_space<hbm>> -> memref<128x256xf32, #tpu.memory_space<hbm>>
        tpu.enqueue_dma source(%arg13 : memref<128x256xf32, #tpu.memory_space<vmem>>) target(%dma_start3A_121 : memref<128x256xf32, #tpu.memory_space<hbm>>) target_semaphore(%run_scoped3A : memref<!tpu.dma_semaphore, #tpu.memory_space<semaphore_mem>>)
        %dma_wait3A = arith.constant 128 : i32
        %dma_wait3A_122 = tpu.memref_slice %arg7[%add3A_25, %mul3A_112, %dma_wait3A] : memref<128x2048x448xf32, #tpu.memory_space<hbm>> -> memref<1x128x256xf32, #tpu.memory_space<hbm>>
        %dma_wait3A_123 = tpu.memref_squeeze %dma_wait3A_122 : memref<1x128x256xf32, #tpu.memory_space<hbm>> -> memref<128x256xf32, #tpu.memory_space<hbm>>
        %dma_wait3A_124 = arith.constant 128 : i32
        %dma_wait3A_125 = tpu.memref_slice %arg7[%add3A_25, %mul3A_112, %dma_wait3A_124] : memref<128x2048x448xf32, #tpu.memory_space<hbm>> -> memref<1x128x256xf32, #tpu.memory_space<hbm>>
        %dma_wait3A_126 = tpu.memref_squeeze %dma_wait3A_125 : memref<1x128x256xf32, #tpu.memory_space<hbm>> -> memref<128x256xf32, #tpu.memory_space<hbm>>
        tpu.wait_dma2 semaphore(%run_scoped3A : memref<!tpu.dma_semaphore, #tpu.memory_space<semaphore_mem>>) src(%arg13 : memref<128x256xf32, #tpu.memory_space<vmem>>) dst(%dma_wait3A_126 : memref<128x256xf32, #tpu.memory_space<hbm>>)
        tpu.yield
      }) : () -> ()
      "tpu.region"() ({
        %run_scoped3A = tpu.sem_alloc : memref<!tpu.dma_semaphore, #tpu.memory_space<semaphore_mem>>
        %dma_start3A = arith.constant 384 : i32
        %dma_start3A_117 = tpu.memref_slice %arg7[%add3A_25, %mul3A_112, %dma_start3A] : memref<128x2048x448xf32, #tpu.memory_space<hbm>> -> memref<1x128x64xf32, #tpu.memory_space<hbm>>
        %dma_start3A_118 = tpu.memref_squeeze %dma_start3A_117 : memref<1x128x64xf32, #tpu.memory_space<hbm>> -> memref<128x64xf32, #tpu.memory_space<hbm>>
        %dma_start3A_119 = arith.constant 384 : i32
        %dma_start3A_120 = tpu.memref_slice %arg7[%add3A_25, %mul3A_112, %dma_start3A_119] : memref<128x2048x448xf32, #tpu.memory_space<hbm>> -> memref<1x128x64xf32, #tpu.memory_space<hbm>>
        %dma_start3A_121 = tpu.memref_squeeze %dma_start3A_120 : memref<1x128x64xf32, #tpu.memory_space<hbm>> -> memref<128x64xf32, #tpu.memory_space<hbm>>
        tpu.enqueue_dma source(%arg11 : memref<128x64xf32, #tpu.memory_space<vmem>>) target(%dma_start3A_121 : memref<128x64xf32, #tpu.memory_space<hbm>>) target_semaphore(%run_scoped3A : memref<!tpu.dma_semaphore, #tpu.memory_space<semaphore_mem>>)
        %dma_wait3A = arith.constant 384 : i32
        %dma_wait3A_122 = tpu.memref_slice %arg7[%add3A_25, %mul3A_112, %dma_wait3A] : memref<128x2048x448xf32, #tpu.memory_space<hbm>> -> memref<1x128x64xf32, #tpu.memory_space<hbm>>
        %dma_wait3A_123 = tpu.memref_squeeze %dma_wait3A_122 : memref<1x128x64xf32, #tpu.memory_space<hbm>> -> memref<128x64xf32, #tpu.memory_space<hbm>>
        %dma_wait3A_124 = arith.constant 384 : i32
        %dma_wait3A_125 = tpu.memref_slice %arg7[%add3A_25, %mul3A_112, %dma_wait3A_124] : memref<128x2048x448xf32, #tpu.memory_space<hbm>> -> memref<1x128x64xf32, #tpu.memory_space<hbm>>
        %dma_wait3A_126 = tpu.memref_squeeze %dma_wait3A_125 : memref<1x128x64xf32, #tpu.memory_space<hbm>> -> memref<128x64xf32, #tpu.memory_space<hbm>>
        tpu.wait_dma2 semaphore(%run_scoped3A : memref<!tpu.dma_semaphore, #tpu.memory_space<semaphore_mem>>) src(%arg11 : memref<128x64xf32, #tpu.memory_space<vmem>>) dst(%dma_wait3A_126 : memref<128x64xf32, #tpu.memory_space<hbm>>)
        tpu.yield
      }) : () -> ()
    }
    %scan3A_49 = arith.constant 16 : i32
    %mul3A_50 = arith.constant 4 : i32
    %mul3A_51 = arith.muli %add3A, %mul3A_50 : i32
    %add3A_52 = arith.constant 2 : i32
    %add3A_53 = arith.addi %mul3A_51, %add3A_52 : i32
    %get3A_54 = arith.index_cast %add3A_53 : i32 to index
    %get3A_55 = tpu.vector_load %arg8[%get3A_54] {strides = array<i32>} : memref<144xi32, #tpu.memory_space<vmem>>, vector<16xi32>,
    %get3A_56 = vector.shape_cast %get3A_55 : vector<16xi32> to vector<16xi32>
    %slice3A_57 = vector.extract_strided_slice %get3A_56 {offsets = [0], sizes = [1], strides = [1]} : vector<16xi32> to vector<1xi32>
    %squeeze3A_58 = vector.extract %slice3A_57[0] : i32 from vector<1xi32>
    %jit3A_59 = arith.constant 0 : i32
    %jit3A_60 = arith.constant 7952 : i32
    %max3A_61 = arith.maxsi %jit3A_59, %squeeze3A_58 : i32
    %min3A_62 = arith.minsi %jit3A_60, %max3A_61 : i32
    %get3A_63 = arith.index_cast %add3A_53 : i32 to index
    %get3A_64 = tpu.vector_load %arg9[%get3A_63] {strides = array<i32>} : memref<144xi32, #tpu.memory_space<vmem>>, vector<16xi32>,
    %get3A_65 = vector.shape_cast %get3A_64 : vector<16xi32> to vector<16xi32>
    %slice3A_66 = vector.extract_strided_slice %get3A_65 {offsets = [0], sizes = [1], strides = [1]} : vector<16xi32> to vector<1xi32>
    %squeeze3A_67 = vector.extract %slice3A_66[0] : i32 from vector<1xi32>
    "tpu.region"() ({
      %run_scoped3A = tpu.sem_alloc : memref<!tpu.dma_semaphore, #tpu.memory_space<semaphore_mem>>
      %dma_start3A = arith.constant 0 : i32
      %dma_start3A_106 = tpu.memref_slice %arg4[%squeeze3A_67, %dma_start3A] : memref<15x64xf32, #tpu.memory_space<hbm>> -> memref<1x64xf32, #tpu.memory_space<hbm>>
      %dma_start3A_107 = tpu.memref_squeeze %dma_start3A_106 : memref<1x64xf32, #tpu.memory_space<hbm>> -> memref<64xf32, #tpu.memory_space<hbm>>
      %dma_start3A_108 = arith.constant 0 : i32
      %dma_start3A_109 = tpu.memref_slice %arg4[%squeeze3A_67, %dma_start3A_108] : memref<15x64xf32, #tpu.memory_space<hbm>> -> memref<1x64xf32, #tpu.memory_space<hbm>>
      %dma_start3A_110 = tpu.memref_squeeze %dma_start3A_109 : memref<1x64xf32, #tpu.memory_space<hbm>> -> memref<64xf32, #tpu.memory_space<hbm>>
      tpu.enqueue_dma source(%dma_start3A_110 : memref<64xf32, #tpu.memory_space<hbm>>) target(%arg10 : memref<64xf32, #tpu.memory_space<vmem>>) target_semaphore(%run_scoped3A : memref<!tpu.dma_semaphore, #tpu.memory_space<semaphore_mem>>)
      %dma_wait3A = arith.constant 0 : i32
      %dma_wait3A_111 = tpu.memref_slice %arg4[%squeeze3A_67, %dma_wait3A] : memref<15x64xf32, #tpu.memory_space<hbm>> -> memref<1x64xf32, #tpu.memory_space<hbm>>
      %dma_wait3A_112 = tpu.memref_squeeze %dma_wait3A_111 : memref<1x64xf32, #tpu.memory_space<hbm>> -> memref<64xf32, #tpu.memory_space<hbm>>
      %dma_wait3A_113 = arith.constant 0 : i32
      %dma_wait3A_114 = tpu.memref_slice %arg4[%squeeze3A_67, %dma_wait3A_113] : memref<15x64xf32, #tpu.memory_space<hbm>> -> memref<1x64xf32, #tpu.memory_space<hbm>>
      %dma_wait3A_115 = tpu.memref_squeeze %dma_wait3A_114 : memref<1x64xf32, #tpu.memory_space<hbm>> -> memref<64xf32, #tpu.memory_space<hbm>>
      tpu.wait_dma2 semaphore(%run_scoped3A : memref<!tpu.dma_semaphore, #tpu.memory_space<semaphore_mem>>) src(%dma_wait3A_115 : memref<64xf32, #tpu.memory_space<hbm>>) dst(%arg10 : memref<64xf32, #tpu.memory_space<vmem>>)
      tpu.yield
    }) : () -> ()
    %scan3A_68 = arith.constant 0 : i32
    %scan3A_69 = arith.constant 128 : i32
    %scan3A_70 = arith.addi %scan3A_68, %scan3A_69 : i32
    %scan3A_71 = arith.constant 1 : i32
    scf.for %scan3A_106 = %scan3A_68 to %scan3A_70 step %scan3A_71  : i32 {
      %mul3A_107 = arith.constant 1 : i32
      %mul3A_108 = arith.muli %scan3A_106, %mul3A_107 : i32
      %add3A_109 = arith.constant 0 : i32
      %add3A_110 = arith.addi %add3A_109, %mul3A_108 : i32
      %get3A_111 = arith.constant 0 : index
      %get3A_112 = tpu.vector_load %arg10[%get3A_111] {strides = array<i32>} : memref<64xf32, #tpu.memory_space<vmem>>, vector<16xf32>,
      %get3A_113 = vector.shape_cast %get3A_112 : vector<16xf32> to vector<16xf32>
      %swap3A = arith.index_cast %add3A_110 : i32 to index
      %swap3A_114 = arith.constant 0 : index
      %swap3A_115 = tpu.vector_load %arg11[%swap3A, %swap3A_114] {strides = array<i32>} : memref<128x64xf32, #tpu.memory_space<vmem>>, vector<1x16xf32>,
      %swap3A_116 = vector.shape_cast %swap3A_115 : vector<1x16xf32> to vector<16xf32>
      %swap3A_117 = vector.shape_cast %get3A_113 : vector<16xf32> to vector<1x16xf32>
      tpu.vector_store %arg11[%swap3A, %swap3A_114], %swap3A_117 {strides = array<i32>} : memref<128x64xf32, #tpu.memory_space<vmem>>, vector<1x16xf32>,
      %get3A_118 = arith.constant 16 : index
      %get3A_119 = tpu.vector_load %arg10[%get3A_118] {strides = array<i32>} : memref<64xf32, #tpu.memory_space<vmem>>, vector<16xf32>,
      %get3A_120 = vector.shape_cast %get3A_119 : vector<16xf32> to vector<16xf32>
      %swap3A_121 = arith.index_cast %add3A_110 : i32 to index
      %swap3A_122 = arith.constant 16 : index
      %swap3A_123 = tpu.vector_load %arg11[%swap3A_121, %swap3A_122] {strides = array<i32>} : memref<128x64xf32, #tpu.memory_space<vmem>>, vector<1x16xf32>,
      %swap3A_124 = vector.shape_cast %swap3A_123 : vector<1x16xf32> to vector<16xf32>
      %swap3A_125 = vector.shape_cast %get3A_120 : vector<16xf32> to vector<1x16xf32>
      tpu.vector_store %arg11[%swap3A_121, %swap3A_122], %swap3A_125 {strides = array<i32>} : memref<128x64xf32, #tpu.memory_space<vmem>>, vector<1x16xf32>,
      %get3A_126 = arith.constant 32 : index
      %get3A_127 = tpu.vector_load %arg10[%get3A_126] {strides = array<i32>} : memref<64xf32, #tpu.memory_space<vmem>>, vector<16xf32>,
      %get3A_128 = vector.shape_cast %get3A_127 : vector<16xf32> to vector<16xf32>
      %swap3A_129 = arith.index_cast %add3A_110 : i32 to index
      %swap3A_130 = arith.constant 32 : index
      %swap3A_131 = tpu.vector_load %arg11[%swap3A_129, %swap3A_130] {strides = array<i32>} : memref<128x64xf32, #tpu.memory_space<vmem>>, vector<1x16xf32>,
      %swap3A_132 = vector.shape_cast %swap3A_131 : vector<1x16xf32> to vector<16xf32>
      %swap3A_133 = vector.shape_cast %get3A_128 : vector<16xf32> to vector<1x16xf32>
      tpu.vector_store %arg11[%swap3A_129, %swap3A_130], %swap3A_133 {strides = array<i32>} : memref<128x64xf32, #tpu.memory_space<vmem>>, vector<1x16xf32>,
      %get3A_134 = arith.constant 48 : index
      %get3A_135 = tpu.vector_load %arg10[%get3A_134] {strides = array<i32>} : memref<64xf32, #tpu.memory_space<vmem>>, vector<16xf32>,
      %get3A_136 = vector.shape_cast %get3A_135 : vector<16xf32> to vector<16xf32>
      %swap3A_137 = arith.index_cast %add3A_110 : i32 to index
      %swap3A_138 = arith.constant 48 : index
      %swap3A_139 = tpu.vector_load %arg11[%swap3A_137, %swap3A_138] {strides = array<i32>} : memref<128x64xf32, #tpu.memory_space<vmem>>, vector<1x16xf32>,
      %swap3A_140 = vector.shape_cast %swap3A_139 : vector<1x16xf32> to vector<16xf32>
      %swap3A_141 = vector.shape_cast %get3A_136 : vector<16xf32> to vector<1x16xf32>
      tpu.vector_store %arg11[%swap3A_137, %swap3A_138], %swap3A_141 {strides = array<i32>} : memref<128x64xf32, #tpu.memory_space<vmem>>, vector<1x16xf32>,
    }
    %scan3A_72 = arith.constant 128 : i32
    %scan3A_73 = arith.constant 0 : i32
    %scan3A_74 = arith.constant 16 : i32
    %scan3A_75 = arith.addi %scan3A_73, %scan3A_74 : i32
    %scan3A_76 = arith.constant 1 : i32
    scf.for %scan3A_106 = %scan3A_73 to %scan3A_75 step %scan3A_76  : i32 {
      %mul3A_107 = arith.constant 1 : i32
      %mul3A_108 = arith.muli %scan3A_106, %mul3A_107 : i32
      %add3A_109 = arith.constant 0 : i32
      %add3A_110 = arith.addi %add3A_109, %mul3A_108 : i32
      %mul3A_111 = arith.constant 128 : i32
      %mul3A_112 = arith.muli %add3A_110, %mul3A_111 : i32
      %mul3A_113 = arith.constant 2048 : i32
      %mul3A_114 = arith.muli %add3A_53, %mul3A_113 : i32
      %add3A_115 = arith.addi %mul3A_114, %mul3A_112 : i32
      "tpu.region"() ({
        %run_scoped3A = tpu.sem_alloc : memref<!tpu.dma_semaphore, #tpu.memory_space<semaphore_mem>>
        %dma_start3A = arith.constant 0 : i32
        %dma_start3A_117 = tpu.memref_slice %arg2[%add3A_115, %dma_start3A] : memref<262144x128xf32, #tpu.memory_space<hbm>> -> memref<128x128xf32, #tpu.memory_space<hbm>>
        %dma_start3A_118 = arith.constant 0 : i32
        %dma_start3A_119 = tpu.memref_slice %arg2[%add3A_115, %dma_start3A_118] : memref<262144x128xf32, #tpu.memory_space<hbm>> -> memref<128x128xf32, #tpu.memory_space<hbm>>
        tpu.enqueue_dma source(%dma_start3A_119 : memref<128x128xf32, #tpu.memory_space<hbm>>) target(%arg12 : memref<128x128xf32, #tpu.memory_space<vmem>>) target_semaphore(%run_scoped3A : memref<!tpu.dma_semaphore, #tpu.memory_space<semaphore_mem>>)
        %dma_wait3A = arith.constant 0 : i32
        %dma_wait3A_120 = tpu.memref_slice %arg2[%add3A_115, %dma_wait3A] : memref<262144x128xf32, #tpu.memory_space<hbm>> -> memref<128x128xf32, #tpu.memory_space<hbm>>
        %dma_wait3A_121 = arith.constant 0 : i32
        %dma_wait3A_122 = tpu.memref_slice %arg2[%add3A_115, %dma_wait3A_121] : memref<262144x128xf32, #tpu.memory_space<hbm>> -> memref<128x128xf32, #tpu.memory_space<hbm>>
        tpu.wait_dma2 semaphore(%run_scoped3A : memref<!tpu.dma_semaphore, #tpu.memory_space<semaphore_mem>>) src(%dma_wait3A_122 : memref<128x128xf32, #tpu.memory_space<hbm>>) dst(%arg12 : memref<128x128xf32, #tpu.memory_space<vmem>>)
        tpu.yield
      }) : () -> ()
      "tpu.region"() ({
        %run_scoped3A = tpu.sem_alloc : memref<!tpu.dma_semaphore, #tpu.memory_space<semaphore_mem>>
        %dma_start3A = arith.constant 0 : i32
        %dma_start3A_117 = tpu.memref_slice %arg7[%add3A_53, %mul3A_112, %dma_start3A] : memref<128x2048x448xf32, #tpu.memory_space<hbm>> -> memref<1x128x128xf32, #tpu.memory_space<hbm>>
        %dma_start3A_118 = tpu.memref_squeeze %dma_start3A_117 : memref<1x128x128xf32, #tpu.memory_space<hbm>> -> memref<128x128xf32, #tpu.memory_space<hbm>>
        %dma_start3A_119 = arith.constant 0 : i32
        %dma_start3A_120 = tpu.memref_slice %arg7[%add3A_53, %mul3A_112, %dma_start3A_119] : memref<128x2048x448xf32, #tpu.memory_space<hbm>> -> memref<1x128x128xf32, #tpu.memory_space<hbm>>
        %dma_start3A_121 = tpu.memref_squeeze %dma_start3A_120 : memref<1x128x128xf32, #tpu.memory_space<hbm>> -> memref<128x128xf32, #tpu.memory_space<hbm>>
        tpu.enqueue_dma source(%arg12 : memref<128x128xf32, #tpu.memory_space<vmem>>) target(%dma_start3A_121 : memref<128x128xf32, #tpu.memory_space<hbm>>) target_semaphore(%run_scoped3A : memref<!tpu.dma_semaphore, #tpu.memory_space<semaphore_mem>>)
        %dma_wait3A = arith.constant 0 : i32
        %dma_wait3A_122 = tpu.memref_slice %arg7[%add3A_53, %mul3A_112, %dma_wait3A] : memref<128x2048x448xf32, #tpu.memory_space<hbm>> -> memref<1x128x128xf32, #tpu.memory_space<hbm>>
        %dma_wait3A_123 = tpu.memref_squeeze %dma_wait3A_122 : memref<1x128x128xf32, #tpu.memory_space<hbm>> -> memref<128x128xf32, #tpu.memory_space<hbm>>
        %dma_wait3A_124 = arith.constant 0 : i32
        %dma_wait3A_125 = tpu.memref_slice %arg7[%add3A_53, %mul3A_112, %dma_wait3A_124] : memref<128x2048x448xf32, #tpu.memory_space<hbm>> -> memref<1x128x128xf32, #tpu.memory_space<hbm>>
        %dma_wait3A_126 = tpu.memref_squeeze %dma_wait3A_125 : memref<1x128x128xf32, #tpu.memory_space<hbm>> -> memref<128x128xf32, #tpu.memory_space<hbm>>
        tpu.wait_dma2 semaphore(%run_scoped3A : memref<!tpu.dma_semaphore, #tpu.memory_space<semaphore_mem>>) src(%arg12 : memref<128x128xf32, #tpu.memory_space<vmem>>) dst(%dma_wait3A_126 : memref<128x128xf32, #tpu.memory_space<hbm>>)
        tpu.yield
      }) : () -> ()
      %add3A_116 = arith.addi %min3A_62, %mul3A_112 : i32
      "tpu.region"() ({
        %run_scoped3A = tpu.sem_alloc : memref<!tpu.dma_semaphore, #tpu.memory_space<semaphore_mem>>
        %dma_start3A = arith.constant 0 : i32
        %dma_start3A_117 = tpu.memref_slice %arg3[%add3A_116, %dma_start3A] : memref<10000x256xf32, #tpu.memory_space<hbm>> -> memref<128x256xf32, #tpu.memory_space<hbm>>
        %dma_start3A_118 = arith.constant 0 : i32
        %dma_start3A_119 = tpu.memref_slice %arg3[%add3A_116, %dma_start3A_118] : memref<10000x256xf32, #tpu.memory_space<hbm>> -> memref<128x256xf32, #tpu.memory_space<hbm>>
        tpu.enqueue_dma source(%dma_start3A_119 : memref<128x256xf32, #tpu.memory_space<hbm>>) target(%arg13 : memref<128x256xf32, #tpu.memory_space<vmem>>) target_semaphore(%run_scoped3A : memref<!tpu.dma_semaphore, #tpu.memory_space<semaphore_mem>>)
        %dma_wait3A = arith.constant 0 : i32
        %dma_wait3A_120 = tpu.memref_slice %arg3[%add3A_116, %dma_wait3A] : memref<10000x256xf32, #tpu.memory_space<hbm>> -> memref<128x256xf32, #tpu.memory_space<hbm>>
        %dma_wait3A_121 = arith.constant 0 : i32
        %dma_wait3A_122 = tpu.memref_slice %arg3[%add3A_116, %dma_wait3A_121] : memref<10000x256xf32, #tpu.memory_space<hbm>> -> memref<128x256xf32, #tpu.memory_space<hbm>>
        tpu.wait_dma2 semaphore(%run_scoped3A : memref<!tpu.dma_semaphore, #tpu.memory_space<semaphore_mem>>) src(%dma_wait3A_122 : memref<128x256xf32, #tpu.memory_space<hbm>>) dst(%arg13 : memref<128x256xf32, #tpu.memory_space<vmem>>)
        tpu.yield
      }) : () -> ()
      "tpu.region"() ({
        %run_scoped3A = tpu.sem_alloc : memref<!tpu.dma_semaphore, #tpu.memory_space<semaphore_mem>>
        %dma_start3A = arith.constant 128 : i32
        %dma_start3A_117 = tpu.memref_slice %arg7[%add3A_53, %mul3A_112, %dma_start3A] : memref<128x2048x448xf32, #tpu.memory_space<hbm>> -> memref<1x128x256xf32, #tpu.memory_space<hbm>>
        %dma_start3A_118 = tpu.memref_squeeze %dma_start3A_117 : memref<1x128x256xf32, #tpu.memory_space<hbm>> -> memref<128x256xf32, #tpu.memory_space<hbm>>
        %dma_start3A_119 = arith.constant 128 : i32
        %dma_start3A_120 = tpu.memref_slice %arg7[%add3A_53, %mul3A_112, %dma_start3A_119] : memref<128x2048x448xf32, #tpu.memory_space<hbm>> -> memref<1x128x256xf32, #tpu.memory_space<hbm>>
        %dma_start3A_121 = tpu.memref_squeeze %dma_start3A_120 : memref<1x128x256xf32, #tpu.memory_space<hbm>> -> memref<128x256xf32, #tpu.memory_space<hbm>>
        tpu.enqueue_dma source(%arg13 : memref<128x256xf32, #tpu.memory_space<vmem>>) target(%dma_start3A_121 : memref<128x256xf32, #tpu.memory_space<hbm>>) target_semaphore(%run_scoped3A : memref<!tpu.dma_semaphore, #tpu.memory_space<semaphore_mem>>)
        %dma_wait3A = arith.constant 128 : i32
        %dma_wait3A_122 = tpu.memref_slice %arg7[%add3A_53, %mul3A_112, %dma_wait3A] : memref<128x2048x448xf32, #tpu.memory_space<hbm>> -> memref<1x128x256xf32, #tpu.memory_space<hbm>>
        %dma_wait3A_123 = tpu.memref_squeeze %dma_wait3A_122 : memref<1x128x256xf32, #tpu.memory_space<hbm>> -> memref<128x256xf32, #tpu.memory_space<hbm>>
        %dma_wait3A_124 = arith.constant 128 : i32
        %dma_wait3A_125 = tpu.memref_slice %arg7[%add3A_53, %mul3A_112, %dma_wait3A_124] : memref<128x2048x448xf32, #tpu.memory_space<hbm>> -> memref<1x128x256xf32, #tpu.memory_space<hbm>>
        %dma_wait3A_126 = tpu.memref_squeeze %dma_wait3A_125 : memref<1x128x256xf32, #tpu.memory_space<hbm>> -> memref<128x256xf32, #tpu.memory_space<hbm>>
        tpu.wait_dma2 semaphore(%run_scoped3A : memref<!tpu.dma_semaphore, #tpu.memory_space<semaphore_mem>>) src(%arg13 : memref<128x256xf32, #tpu.memory_space<vmem>>) dst(%dma_wait3A_126 : memref<128x256xf32, #tpu.memory_space<hbm>>)
        tpu.yield
      }) : () -> ()
      "tpu.region"() ({
        %run_scoped3A = tpu.sem_alloc : memref<!tpu.dma_semaphore, #tpu.memory_space<semaphore_mem>>
        %dma_start3A = arith.constant 384 : i32
        %dma_start3A_117 = tpu.memref_slice %arg7[%add3A_53, %mul3A_112, %dma_start3A] : memref<128x2048x448xf32, #tpu.memory_space<hbm>> -> memref<1x128x64xf32, #tpu.memory_space<hbm>>
        %dma_start3A_118 = tpu.memref_squeeze %dma_start3A_117 : memref<1x128x64xf32, #tpu.memory_space<hbm>> -> memref<128x64xf32, #tpu.memory_space<hbm>>
        %dma_start3A_119 = arith.constant 384 : i32
        %dma_start3A_120 = tpu.memref_slice %arg7[%add3A_53, %mul3A_112, %dma_start3A_119] : memref<128x2048x448xf32, #tpu.memory_space<hbm>> -> memref<1x128x64xf32, #tpu.memory_space<hbm>>
        %dma_start3A_121 = tpu.memref_squeeze %dma_start3A_120 : memref<1x128x64xf32, #tpu.memory_space<hbm>> -> memref<128x64xf32, #tpu.memory_space<hbm>>
        tpu.enqueue_dma source(%arg11 : memref<128x64xf32, #tpu.memory_space<vmem>>) target(%dma_start3A_121 : memref<128x64xf32, #tpu.memory_space<hbm>>) target_semaphore(%run_scoped3A : memref<!tpu.dma_semaphore, #tpu.memory_space<semaphore_mem>>)
        %dma_wait3A = arith.constant 384 : i32
        %dma_wait3A_122 = tpu.memref_slice %arg7[%add3A_53, %mul3A_112, %dma_wait3A] : memref<128x2048x448xf32, #tpu.memory_space<hbm>> -> memref<1x128x64xf32, #tpu.memory_space<hbm>>
        %dma_wait3A_123 = tpu.memref_squeeze %dma_wait3A_122 : memref<1x128x64xf32, #tpu.memory_space<hbm>> -> memref<128x64xf32, #tpu.memory_space<hbm>>
        %dma_wait3A_124 = arith.constant 384 : i32
        %dma_wait3A_125 = tpu.memref_slice %arg7[%add3A_53, %mul3A_112, %dma_wait3A_124] : memref<128x2048x448xf32, #tpu.memory_space<hbm>> -> memref<1x128x64xf32, #tpu.memory_space<hbm>>
        %dma_wait3A_126 = tpu.memref_squeeze %dma_wait3A_125 : memref<1x128x64xf32, #tpu.memory_space<hbm>> -> memref<128x64xf32, #tpu.memory_space<hbm>>
        tpu.wait_dma2 semaphore(%run_scoped3A : memref<!tpu.dma_semaphore, #tpu.memory_space<semaphore_mem>>) src(%arg11 : memref<128x64xf32, #tpu.memory_space<vmem>>) dst(%dma_wait3A_126 : memref<128x64xf32, #tpu.memory_space<hbm>>)
        tpu.yield
      }) : () -> ()
    }
    %scan3A_77 = arith.constant 16 : i32
    %mul3A_78 = arith.constant 4 : i32
    %mul3A_79 = arith.muli %add3A, %mul3A_78 : i32
    %add3A_80 = arith.constant 3 : i32
    %add3A_81 = arith.addi %mul3A_79, %add3A_80 : i32
    %get3A_82 = arith.index_cast %add3A_81 : i32 to index
    %get3A_83 = tpu.vector_load %arg8[%get3A_82] {strides = array<i32>} : memref<144xi32, #tpu.memory_space<vmem>>, vector<16xi32>,
    %get3A_84 = vector.shape_cast %get3A_83 : vector<16xi32> to vector<16xi32>
    %slice3A_85 = vector.extract_strided_slice %get3A_84 {offsets = [0], sizes = [1], strides = [1]} : vector<16xi32> to vector<1xi32>
    %squeeze3A_86 = vector.extract %slice3A_85[0] : i32 from vector<1xi32>
    %jit3A_87 = arith.constant 0 : i32
    %jit3A_88 = arith.constant 7952 : i32
    %max3A_89 = arith.maxsi %jit3A_87, %squeeze3A_86 : i32
    %min3A_90 = arith.minsi %jit3A_88, %max3A_89 : i32
    %get3A_91 = arith.index_cast %add3A_81 : i32 to index
    %get3A_92 = tpu.vector_load %arg9[%get3A_91] {strides = array<i32>} : memref<144xi32, #tpu.memory_space<vmem>>, vector<16xi32>,
    %get3A_93 = vector.shape_cast %get3A_92 : vector<16xi32> to vector<16xi32>
    %slice3A_94 = vector.extract_strided_slice %get3A_93 {offsets = [0], sizes = [1], strides = [1]} : vector<16xi32> to vector<1xi32>
    %squeeze3A_95 = vector.extract %slice3A_94[0] : i32 from vector<1xi32>
    "tpu.region"() ({
      %run_scoped3A = tpu.sem_alloc : memref<!tpu.dma_semaphore, #tpu.memory_space<semaphore_mem>>
      %dma_start3A = arith.constant 0 : i32
      %dma_start3A_106 = tpu.memref_slice %arg4[%squeeze3A_95, %dma_start3A] : memref<15x64xf32, #tpu.memory_space<hbm>> -> memref<1x64xf32, #tpu.memory_space<hbm>>
      %dma_start3A_107 = tpu.memref_squeeze %dma_start3A_106 : memref<1x64xf32, #tpu.memory_space<hbm>> -> memref<64xf32, #tpu.memory_space<hbm>>
      %dma_start3A_108 = arith.constant 0 : i32
      %dma_start3A_109 = tpu.memref_slice %arg4[%squeeze3A_95, %dma_start3A_108] : memref<15x64xf32, #tpu.memory_space<hbm>> -> memref<1x64xf32, #tpu.memory_space<hbm>>
      %dma_start3A_110 = tpu.memref_squeeze %dma_start3A_109 : memref<1x64xf32, #tpu.memory_space<hbm>> -> memref<64xf32, #tpu.memory_space<hbm>>
      tpu.enqueue_dma source(%dma_start3A_110 : memref<64xf32, #tpu.memory_space<hbm>>) target(%arg10 : memref<64xf32, #tpu.memory_space<vmem>>) target_semaphore(%run_scoped3A : memref<!tpu.dma_semaphore, #tpu.memory_space<semaphore_mem>>)
      %dma_wait3A = arith.constant 0 : i32
      %dma_wait3A_111 = tpu.memref_slice %arg4[%squeeze3A_95, %dma_wait3A] : memref<15x64xf32, #tpu.memory_space<hbm>> -> memref<1x64xf32, #tpu.memory_space<hbm>>
      %dma_wait3A_112 = tpu.memref_squeeze %dma_wait3A_111 : memref<1x64xf32, #tpu.memory_space<hbm>> -> memref<64xf32, #tpu.memory_space<hbm>>
      %dma_wait3A_113 = arith.constant 0 : i32
      %dma_wait3A_114 = tpu.memref_slice %arg4[%squeeze3A_95, %dma_wait3A_113] : memref<15x64xf32, #tpu.memory_space<hbm>> -> memref<1x64xf32, #tpu.memory_space<hbm>>
      %dma_wait3A_115 = tpu.memref_squeeze %dma_wait3A_114 : memref<1x64xf32, #tpu.memory_space<hbm>> -> memref<64xf32, #tpu.memory_space<hbm>>
      tpu.wait_dma2 semaphore(%run_scoped3A : memref<!tpu.dma_semaphore, #tpu.memory_space<semaphore_mem>>) src(%dma_wait3A_115 : memref<64xf32, #tpu.memory_space<hbm>>) dst(%arg10 : memref<64xf32, #tpu.memory_space<vmem>>)
      tpu.yield
    }) : () -> ()
    %scan3A_96 = arith.constant 0 : i32
    %scan3A_97 = arith.constant 128 : i32
    %scan3A_98 = arith.addi %scan3A_96, %scan3A_97 : i32
    %scan3A_99 = arith.constant 1 : i32
    scf.for %scan3A_106 = %scan3A_96 to %scan3A_98 step %scan3A_99  : i32 {
      %mul3A_107 = arith.constant 1 : i32
      %mul3A_108 = arith.muli %scan3A_106, %mul3A_107 : i32
      %add3A_109 = arith.constant 0 : i32
      %add3A_110 = arith.addi %add3A_109, %mul3A_108 : i32
      %get3A_111 = arith.constant 0 : index
      %get3A_112 = tpu.vector_load %arg10[%get3A_111] {strides = array<i32>} : memref<64xf32, #tpu.memory_space<vmem>>, vector<16xf32>,
      %get3A_113 = vector.shape_cast %get3A_112 : vector<16xf32> to vector<16xf32>
      %swap3A = arith.index_cast %add3A_110 : i32 to index
      %swap3A_114 = arith.constant 0 : index
      %swap3A_115 = tpu.vector_load %arg11[%swap3A, %swap3A_114] {strides = array<i32>} : memref<128x64xf32, #tpu.memory_space<vmem>>, vector<1x16xf32>,
      %swap3A_116 = vector.shape_cast %swap3A_115 : vector<1x16xf32> to vector<16xf32>
      %swap3A_117 = vector.shape_cast %get3A_113 : vector<16xf32> to vector<1x16xf32>
      tpu.vector_store %arg11[%swap3A, %swap3A_114], %swap3A_117 {strides = array<i32>} : memref<128x64xf32, #tpu.memory_space<vmem>>, vector<1x16xf32>,
      %get3A_118 = arith.constant 16 : index
      %get3A_119 = tpu.vector_load %arg10[%get3A_118] {strides = array<i32>} : memref<64xf32, #tpu.memory_space<vmem>>, vector<16xf32>,
      %get3A_120 = vector.shape_cast %get3A_119 : vector<16xf32> to vector<16xf32>
      %swap3A_121 = arith.index_cast %add3A_110 : i32 to index
      %swap3A_122 = arith.constant 16 : index
      %swap3A_123 = tpu.vector_load %arg11[%swap3A_121, %swap3A_122] {strides = array<i32>} : memref<128x64xf32, #tpu.memory_space<vmem>>, vector<1x16xf32>,
      %swap3A_124 = vector.shape_cast %swap3A_123 : vector<1x16xf32> to vector<16xf32>
      %swap3A_125 = vector.shape_cast %get3A_120 : vector<16xf32> to vector<1x16xf32>
      tpu.vector_store %arg11[%swap3A_121, %swap3A_122], %swap3A_125 {strides = array<i32>} : memref<128x64xf32, #tpu.memory_space<vmem>>, vector<1x16xf32>,
      %get3A_126 = arith.constant 32 : index
      %get3A_127 = tpu.vector_load %arg10[%get3A_126] {strides = array<i32>} : memref<64xf32, #tpu.memory_space<vmem>>, vector<16xf32>,
      %get3A_128 = vector.shape_cast %get3A_127 : vector<16xf32> to vector<16xf32>
      %swap3A_129 = arith.index_cast %add3A_110 : i32 to index
      %swap3A_130 = arith.constant 32 : index
      %swap3A_131 = tpu.vector_load %arg11[%swap3A_129, %swap3A_130] {strides = array<i32>} : memref<128x64xf32, #tpu.memory_space<vmem>>, vector<1x16xf32>,
      %swap3A_132 = vector.shape_cast %swap3A_131 : vector<1x16xf32> to vector<16xf32>
      %swap3A_133 = vector.shape_cast %get3A_128 : vector<16xf32> to vector<1x16xf32>
      tpu.vector_store %arg11[%swap3A_129, %swap3A_130], %swap3A_133 {strides = array<i32>} : memref<128x64xf32, #tpu.memory_space<vmem>>, vector<1x16xf32>,
      %get3A_134 = arith.constant 48 : index
      %get3A_135 = tpu.vector_load %arg10[%get3A_134] {strides = array<i32>} : memref<64xf32, #tpu.memory_space<vmem>>, vector<16xf32>,
      %get3A_136 = vector.shape_cast %get3A_135 : vector<16xf32> to vector<16xf32>
      %swap3A_137 = arith.index_cast %add3A_110 : i32 to index
      %swap3A_138 = arith.constant 48 : index
      %swap3A_139 = tpu.vector_load %arg11[%swap3A_137, %swap3A_138] {strides = array<i32>} : memref<128x64xf32, #tpu.memory_space<vmem>>, vector<1x16xf32>,
      %swap3A_140 = vector.shape_cast %swap3A_139 : vector<1x16xf32> to vector<16xf32>
      %swap3A_141 = vector.shape_cast %get3A_136 : vector<16xf32> to vector<1x16xf32>
      tpu.vector_store %arg11[%swap3A_137, %swap3A_138], %swap3A_141 {strides = array<i32>} : memref<128x64xf32, #tpu.memory_space<vmem>>, vector<1x16xf32>,
    }
    %scan3A_100 = arith.constant 128 : i32
    %scan3A_101 = arith.constant 0 : i32
    %scan3A_102 = arith.constant 16 : i32
    %scan3A_103 = arith.addi %scan3A_101, %scan3A_102 : i32
    %scan3A_104 = arith.constant 1 : i32
    scf.for %scan3A_106 = %scan3A_101 to %scan3A_103 step %scan3A_104  : i32 {
      %mul3A_107 = arith.constant 1 : i32
      %mul3A_108 = arith.muli %scan3A_106, %mul3A_107 : i32
      %add3A_109 = arith.constant 0 : i32
      %add3A_110 = arith.addi %add3A_109, %mul3A_108 : i32
      %mul3A_111 = arith.constant 128 : i32
      %mul3A_112 = arith.muli %add3A_110, %mul3A_111 : i32
      %mul3A_113 = arith.constant 2048 : i32
      %mul3A_114 = arith.muli %add3A_81, %mul3A_113 : i32
      %add3A_115 = arith.addi %mul3A_114, %mul3A_112 : i32
      "tpu.region"() ({
        %run_scoped3A = tpu.sem_alloc : memref<!tpu.dma_semaphore, #tpu.memory_space<semaphore_mem>>
        %dma_start3A = arith.constant 0 : i32
        %dma_start3A_117 = tpu.memref_slice %arg2[%add3A_115, %dma_start3A] : memref<262144x128xf32, #tpu.memory_space<hbm>> -> memref<128x128xf32, #tpu.memory_space<hbm>>
        %dma_start3A_118 = arith.constant 0 : i32
        %dma_start3A_119 = tpu.memref_slice %arg2[%add3A_115, %dma_start3A_118] : memref<262144x128xf32, #tpu.memory_space<hbm>> -> memref<128x128xf32, #tpu.memory_space<hbm>>
        tpu.enqueue_dma source(%dma_start3A_119 : memref<128x128xf32, #tpu.memory_space<hbm>>) target(%arg12 : memref<128x128xf32, #tpu.memory_space<vmem>>) target_semaphore(%run_scoped3A : memref<!tpu.dma_semaphore, #tpu.memory_space<semaphore_mem>>)
        %dma_wait3A = arith.constant 0 : i32
        %dma_wait3A_120 = tpu.memref_slice %arg2[%add3A_115, %dma_wait3A] : memref<262144x128xf32, #tpu.memory_space<hbm>> -> memref<128x128xf32, #tpu.memory_space<hbm>>
        %dma_wait3A_121 = arith.constant 0 : i32
        %dma_wait3A_122 = tpu.memref_slice %arg2[%add3A_115, %dma_wait3A_121] : memref<262144x128xf32, #tpu.memory_space<hbm>> -> memref<128x128xf32, #tpu.memory_space<hbm>>
        tpu.wait_dma2 semaphore(%run_scoped3A : memref<!tpu.dma_semaphore, #tpu.memory_space<semaphore_mem>>) src(%dma_wait3A_122 : memref<128x128xf32, #tpu.memory_space<hbm>>) dst(%arg12 : memref<128x128xf32, #tpu.memory_space<vmem>>)
        tpu.yield
      }) : () -> ()
      "tpu.region"() ({
        %run_scoped3A = tpu.sem_alloc : memref<!tpu.dma_semaphore, #tpu.memory_space<semaphore_mem>>
        %dma_start3A = arith.constant 0 : i32
        %dma_start3A_117 = tpu.memref_slice %arg7[%add3A_81, %mul3A_112, %dma_start3A] : memref<128x2048x448xf32, #tpu.memory_space<hbm>> -> memref<1x128x128xf32, #tpu.memory_space<hbm>>
        %dma_start3A_118 = tpu.memref_squeeze %dma_start3A_117 : memref<1x128x128xf32, #tpu.memory_space<hbm>> -> memref<128x128xf32, #tpu.memory_space<hbm>>
        %dma_start3A_119 = arith.constant 0 : i32
        %dma_start3A_120 = tpu.memref_slice %arg7[%add3A_81, %mul3A_112, %dma_start3A_119] : memref<128x2048x448xf32, #tpu.memory_space<hbm>> -> memref<1x128x128xf32, #tpu.memory_space<hbm>>
        %dma_start3A_121 = tpu.memref_squeeze %dma_start3A_120 : memref<1x128x128xf32, #tpu.memory_space<hbm>> -> memref<128x128xf32, #tpu.memory_space<hbm>>
        tpu.enqueue_dma source(%arg12 : memref<128x128xf32, #tpu.memory_space<vmem>>) target(%dma_start3A_121 : memref<128x128xf32, #tpu.memory_space<hbm>>) target_semaphore(%run_scoped3A : memref<!tpu.dma_semaphore, #tpu.memory_space<semaphore_mem>>)
        %dma_wait3A = arith.constant 0 : i32
        %dma_wait3A_122 = tpu.memref_slice %arg7[%add3A_81, %mul3A_112, %dma_wait3A] : memref<128x2048x448xf32, #tpu.memory_space<hbm>> -> memref<1x128x128xf32, #tpu.memory_space<hbm>>
        %dma_wait3A_123 = tpu.memref_squeeze %dma_wait3A_122 : memref<1x128x128xf32, #tpu.memory_space<hbm>> -> memref<128x128xf32, #tpu.memory_space<hbm>>
        %dma_wait3A_124 = arith.constant 0 : i32
        %dma_wait3A_125 = tpu.memref_slice %arg7[%add3A_81, %mul3A_112, %dma_wait3A_124] : memref<128x2048x448xf32, #tpu.memory_space<hbm>> -> memref<1x128x128xf32, #tpu.memory_space<hbm>>
        %dma_wait3A_126 = tpu.memref_squeeze %dma_wait3A_125 : memref<1x128x128xf32, #tpu.memory_space<hbm>> -> memref<128x128xf32, #tpu.memory_space<hbm>>
        tpu.wait_dma2 semaphore(%run_scoped3A : memref<!tpu.dma_semaphore, #tpu.memory_space<semaphore_mem>>) src(%arg12 : memref<128x128xf32, #tpu.memory_space<vmem>>) dst(%dma_wait3A_126 : memref<128x128xf32, #tpu.memory_space<hbm>>)
        tpu.yield
      }) : () -> ()
      %add3A_116 = arith.addi %min3A_90, %mul3A_112 : i32
      "tpu.region"() ({
        %run_scoped3A = tpu.sem_alloc : memref<!tpu.dma_semaphore, #tpu.memory_space<semaphore_mem>>
        %dma_start3A = arith.constant 0 : i32
        %dma_start3A_117 = tpu.memref_slice %arg3[%add3A_116, %dma_start3A] : memref<10000x256xf32, #tpu.memory_space<hbm>> -> memref<128x256xf32, #tpu.memory_space<hbm>>
        %dma_start3A_118 = arith.constant 0 : i32
        %dma_start3A_119 = tpu.memref_slice %arg3[%add3A_116, %dma_start3A_118] : memref<10000x256xf32, #tpu.memory_space<hbm>> -> memref<128x256xf32, #tpu.memory_space<hbm>>
        tpu.enqueue_dma source(%dma_start3A_119 : memref<128x256xf32, #tpu.memory_space<hbm>>) target(%arg13 : memref<128x256xf32, #tpu.memory_space<vmem>>) target_semaphore(%run_scoped3A : memref<!tpu.dma_semaphore, #tpu.memory_space<semaphore_mem>>)
        %dma_wait3A = arith.constant 0 : i32
        %dma_wait3A_120 = tpu.memref_slice %arg3[%add3A_116, %dma_wait3A] : memref<10000x256xf32, #tpu.memory_space<hbm>> -> memref<128x256xf32, #tpu.memory_space<hbm>>
        %dma_wait3A_121 = arith.constant 0 : i32
        %dma_wait3A_122 = tpu.memref_slice %arg3[%add3A_116, %dma_wait3A_121] : memref<10000x256xf32, #tpu.memory_space<hbm>> -> memref<128x256xf32, #tpu.memory_space<hbm>>
        tpu.wait_dma2 semaphore(%run_scoped3A : memref<!tpu.dma_semaphore, #tpu.memory_space<semaphore_mem>>) src(%dma_wait3A_122 : memref<128x256xf32, #tpu.memory_space<hbm>>) dst(%arg13 : memref<128x256xf32, #tpu.memory_space<vmem>>)
        tpu.yield
      }) : () -> ()
      "tpu.region"() ({
        %run_scoped3A = tpu.sem_alloc : memref<!tpu.dma_semaphore, #tpu.memory_space<semaphore_mem>>
        %dma_start3A = arith.constant 128 : i32
        %dma_start3A_117 = tpu.memref_slice %arg7[%add3A_81, %mul3A_112, %dma_start3A] : memref<128x2048x448xf32, #tpu.memory_space<hbm>> -> memref<1x128x256xf32, #tpu.memory_space<hbm>>
        %dma_start3A_118 = tpu.memref_squeeze %dma_start3A_117 : memref<1x128x256xf32, #tpu.memory_space<hbm>> -> memref<128x256xf32, #tpu.memory_space<hbm>>
        %dma_start3A_119 = arith.constant 128 : i32
        %dma_start3A_120 = tpu.memref_slice %arg7[%add3A_81, %mul3A_112, %dma_start3A_119] : memref<128x2048x448xf32, #tpu.memory_space<hbm>> -> memref<1x128x256xf32, #tpu.memory_space<hbm>>
        %dma_start3A_121 = tpu.memref_squeeze %dma_start3A_120 : memref<1x128x256xf32, #tpu.memory_space<hbm>> -> memref<128x256xf32, #tpu.memory_space<hbm>>
        tpu.enqueue_dma source(%arg13 : memref<128x256xf32, #tpu.memory_space<vmem>>) target(%dma_start3A_121 : memref<128x256xf32, #tpu.memory_space<hbm>>) target_semaphore(%run_scoped3A : memref<!tpu.dma_semaphore, #tpu.memory_space<semaphore_mem>>)
        %dma_wait3A = arith.constant 128 : i32
        %dma_wait3A_122 = tpu.memref_slice %arg7[%add3A_81, %mul3A_112, %dma_wait3A] : memref<128x2048x448xf32, #tpu.memory_space<hbm>> -> memref<1x128x256xf32, #tpu.memory_space<hbm>>
        %dma_wait3A_123 = tpu.memref_squeeze %dma_wait3A_122 : memref<1x128x256xf32, #tpu.memory_space<hbm>> -> memref<128x256xf32, #tpu.memory_space<hbm>>
        %dma_wait3A_124 = arith.constant 128 : i32
        %dma_wait3A_125 = tpu.memref_slice %arg7[%add3A_81, %mul3A_112, %dma_wait3A_124] : memref<128x2048x448xf32, #tpu.memory_space<hbm>> -> memref<1x128x256xf32, #tpu.memory_space<hbm>>
        %dma_wait3A_126 = tpu.memref_squeeze %dma_wait3A_125 : memref<1x128x256xf32, #tpu.memory_space<hbm>> -> memref<128x256xf32, #tpu.memory_space<hbm>>
        tpu.wait_dma2 semaphore(%run_scoped3A : memref<!tpu.dma_semaphore, #tpu.memory_space<semaphore_mem>>) src(%arg13 : memref<128x256xf32, #tpu.memory_space<vmem>>) dst(%dma_wait3A_126 : memref<128x256xf32, #tpu.memory_space<hbm>>)
        tpu.yield
      }) : () -> ()
      "tpu.region"() ({
        %run_scoped3A = tpu.sem_alloc : memref<!tpu.dma_semaphore, #tpu.memory_space<semaphore_mem>>
        %dma_start3A = arith.constant 384 : i32
        %dma_start3A_117 = tpu.memref_slice %arg7[%add3A_81, %mul3A_112, %dma_start3A] : memref<128x2048x448xf32, #tpu.memory_space<hbm>> -> memref<1x128x64xf32, #tpu.memory_space<hbm>>
        %dma_start3A_118 = tpu.memref_squeeze %dma_start3A_117 : memref<1x128x64xf32, #tpu.memory_space<hbm>> -> memref<128x64xf32, #tpu.memory_space<hbm>>
        %dma_start3A_119 = arith.constant 384 : i32
        %dma_start3A_120 = tpu.memref_slice %arg7[%add3A_81, %mul3A_112, %dma_start3A_119] : memref<128x2048x448xf32, #tpu.memory_space<hbm>> -> memref<1x128x64xf32, #tpu.memory_space<hbm>>
        %dma_start3A_121 = tpu.memref_squeeze %dma_start3A_120 : memref<1x128x64xf32, #tpu.memory_space<hbm>> -> memref<128x64xf32, #tpu.memory_space<hbm>>
        tpu.enqueue_dma source(%arg11 : memref<128x64xf32, #tpu.memory_space<vmem>>) target(%dma_start3A_121 : memref<128x64xf32, #tpu.memory_space<hbm>>) target_semaphore(%run_scoped3A : memref<!tpu.dma_semaphore, #tpu.memory_space<semaphore_mem>>)
        %dma_wait3A = arith.constant 384 : i32
        %dma_wait3A_122 = tpu.memref_slice %arg7[%add3A_81, %mul3A_112, %dma_wait3A] : memref<128x2048x448xf32, #tpu.memory_space<hbm>> -> memref<1x128x64xf32, #tpu.memory_space<hbm>>
        %dma_wait3A_123 = tpu.memref_squeeze %dma_wait3A_122 : memref<1x128x64xf32, #tpu.memory_space<hbm>> -> memref<128x64xf32, #tpu.memory_space<hbm>>
        %dma_wait3A_124 = arith.constant 384 : i32
        %dma_wait3A_125 = tpu.memref_slice %arg7[%add3A_81, %mul3A_112, %dma_wait3A_124] : memref<128x2048x448xf32, #tpu.memory_space<hbm>> -> memref<1x128x64xf32, #tpu.memory_space<hbm>>
        %dma_wait3A_126 = tpu.memref_squeeze %dma_wait3A_125 : memref<1x128x64xf32, #tpu.memory_space<hbm>> -> memref<128x64xf32, #tpu.memory_space<hbm>>
        tpu.wait_dma2 semaphore(%run_scoped3A : memref<!tpu.dma_semaphore, #tpu.memory_space<semaphore_mem>>) src(%arg11 : memref<128x64xf32, #tpu.memory_space<vmem>>) dst(%dma_wait3A_126 : memref<128x64xf32, #tpu.memory_space<hbm>>)
        tpu.yield
      }) : () -> ()
    }
    %scan3A_105 = arith.constant 16 : i32
    return
  }
}

</mosaic_0001>

<sc_bundles>
// kernel: kernel.3.cloned.1.call-start
scs
__scs_entry_jumppad:
0x0: {  	(pc) =	sbr.rel $0x88, $3  }
0x1: {  	(tag) =	ssettag $0x0;
	lr =	simm.s32 $0x1  }
0x2: {  	[smem:$0x3F9C] =	sst lr;
	_ =	strace $0xD0000000  }
0x3: {  	_ = 	snop  }
0x4: {  	_ = 	snop  }
0x5: {  	_ = 	snop  }
0x6: {  	_ = 	snop  }
0x7: {  	_ = 	snop  }
__scs_overlays_trampoline_lowered:
0x8: {  	[smem:$0x3FAB] =	sst s0  }
0x9: {  	[smem:$0x3FAC] =	sst s1  }
0xa: {  	[smem:$0x3FAD] =	sst s2  }
0xb: {  	[smem:$0x3FAE] =	sst s3  }
0xc: {  	[smem:$0x3FAF] =	sst s4  }
0xd: {  	[smem:$0x3FB0] =	sst s5  }
0xe: {  	[smem:$0x3FB1] =	sst s6  }
0xf: {  	[smem:$0x3FB2] =	sst s7  }
0x10: {  	[smem:$0x3FB3] =	sst s8  }
0x11: {  	[smem:$0x3FB4] =	sst s9;
	s0 =	simm.s32 @!p0 $0x0  }
0x12: {  	s1 =	sld [smem:$0x3F9A];
	s0 =	simm.s32 @p0 $0x1  }
0x13: {  	[smem:$0x3FB5] =	sst s0;
	s0 =	simm.s32 @!p1 $0x0  }
0x14: {  	s2 =	sld [smem:$0x3F99];
	s0 =	simm.s32 @p1 $0x1  }
0x15: {  	[smem:$0x3FB6] =	sst s0;
	s0 =	simm.s32 @!p2 $0x0  }
0x16: {  	s3 =	sld [smem:$0x3FDB];
	s0 =	simm.s32 @p2 $0x1  }
0x17: {  	s4 =	simm.s32 $0x1BF5;
	[smem:$0x3FB8] =	sst s0  }
0x18: {  	s0 =	sld [smem:$0x3F9B];
	_ =	swait.ge [sflag:s4], $0x0  }
0x19: {  	s7 =	sld [smem:$0x3F9C]  }
0x1a: {  	s8 =	sadd.s32 $0xFFFFE003, lr  }
0x1b: {  	s9 =	sadd.s32 $0xFFFFFEF7, lr;
	s5 =	simm.s32 $0xFFFFFFFF;
	p2 =	slt.u32 s8, $0xFFFFF086  }
0x1c: {  	p1 =	slt.u32 s9, $0xF7A;
	s5 =	simm.s32 @!p2 $0x0  }
0x1d: {  	s5 =	simm.s32 @p1 $0x1;
	p0 =	seq.s32 s7, s2  }
0x1e: {  	s7 =	smul.u32 @!p0 $0xF7A, s2;
	p2 =	seq.s32 @!p0 s5, $0x0  }
0x1f: {  	s9 =	smul.u32 $0xF7A, s1;
	s8 =	simm.s32 @!p0 $0x1BF5;
	p2 =	por !p2, p0  }
0x20: {  	[sflag:s8] =	ssyncset.s32 @!p0 $0xFFFFF086;
	s6 =	sadd.s32 @!p0 s3, s7;
	s7 =	simm.s32 @!p0 $0x108  }
0x21: {  	s3 =	sadd.s32 s3, s9;
	s6 =	sadd.s32 @!p0 $0x88, s6;
	s7 =	simm.s32 @p2 $0x1082  }
0x22: {  	[simem:s7], [sflag:s8] =	dma.local @!p0 [hbm:s6], $0xF7A  }
0x23: {  	s9 =	sor.u32 $0xD0000000, s2;
	s6 =	simm.s32 $0x108;
	_ =	swait.ge @!p0 [sflag:s8], $0x0  }
0x24: {  	s3 =	sadd.s32 $0x88, s3;
	s6 =	simm.s32 @!p1 $0x1082;
	[sflag:s4] =	ssyncset.s32 $0xFFFFF086  }
0x25: {  	[simem:s6], [sflag:s4] =	dma.local [hbm:s3], $0xF7A  }
0x26: {  	[smem:$0x3F9C] =	sst s1;
	(tag) =	ssettag s2;
	_ =	strace s9  }
0x27: {  	s1 =	sld [smem:$0x3FAC]  }
0x28: {  	s2 =	sld [smem:$0x3FAD]  }
0x29: {  	s4 =	sld [smem:$0x3FAF]  }
0x2a: {  	p0 =	seq.s32 s5, $0x0;
	s5 =	sld [smem:$0x3FB0]  }
0x2b: {  	s6 =	sld [smem:$0x3FB1]  }
0x2c: {  	s7 =	sld [smem:$0x3FB2]  }
0x2d: {  	s3 =	simm.s32 $0x108;
	s8 =	sld [smem:$0x3FB3]  }
0x2e: {  	s3 =	simm.s32 @!p0 $0x1082;
	s9 =	sld [smem:$0x3FB4]  }
0x2f: {  	lr =	sadd.s32 s0, s3;
	s0 =	sld [smem:$0x3FAB]  }
0x30: {  	s3 =	sld [smem:$0x3FAE]  }
0x31: {  	[smem:$0x3FB7] =	sst s10  }
0x32: {  	s10 =	sld [smem:$0x3FB5];
	_ =	sdelay $0x3  }
0x33: {  	p0 =	seq.s32 s10, $0x1;
	s10 =	sld [smem:$0x3FB7];
	_ =	sdelay $0x3  }
0x34: {  	[smem:$0x3FB7] =	sst s10  }
0x35: {  	s10 =	sld [smem:$0x3FB6];
	_ =	sdelay $0x3  }
0x36: {  	p1 =	seq.s32 s10, $0x1;
	s10 =	sld [smem:$0x3FB7];
	_ =	sdelay $0x3  }
0x37: {  	[smem:$0x3FB7] =	sst s10  }
0x38: {  	s10 =	sld [smem:$0x3FB8]  }
0x39: {  	_ = 	snop;
	(pc) =	sbr.ind lr, $3  }
0x3a: {  	_ = 	snop  }
0x3b: {  	_ = 	snop  }
0x3c: {  	p2 =	seq.s32 s10, $0x1;
	s10 =	sld [smem:$0x3FB7]  }
0x3d: {  	_ =	shalt  }
0x3e: {  	_ =	shalt  }
0x3f: {  	_ =	shalt  }
0x40: {  	_ =	shalt  }
0x41: {  	_ =	shalt  }
0x42: {  	_ =	shalt  }
0x43: {  	_ =	shalt  }
0x44: {  	_ =	shalt  }
0x45: {  	_ =	shalt  }
0x46: {  	_ =	shalt  }
0x47: {  	_ =	shalt  }
0x48: {  	_ =	shalt  }
0x49: {  	_ =	shalt  }
0x4a: {  	_ =	shalt  }
0x4b: {  	_ =	shalt  }
0x4c: {  	_ =	shalt  }
0x4d: {  	_ =	shalt  }
0x4e: {  	_ =	shalt  }
0x4f: {  	_ =	shalt  }
0x50: {  	_ =	shalt  }
0x51: {  	_ =	shalt  }
0x52: {  	_ =	shalt  }
0x53: {  	_ =	shalt  }
0x54: {  	_ =	shalt  }
0x55: {  	_ =	shalt  }
0x56: {  	_ =	shalt  }
0x57: {  	_ =	shalt  }
0x58: {  	_ =	shalt  }
0x59: {  	_ =	shalt  }
0x5a: {  	_ =	shalt  }
0x5b: {  	_ =	shalt  }
0x5c: {  	_ =	shalt  }
0x5d: {  	_ =	shalt  }
0x5e: {  	_ =	shalt  }
0x5f: {  	_ =	shalt  }
0x60: {  	_ =	shalt  }
0x61: {  	_ =	shalt  }
0x62: {  	_ =	shalt  }
0x63: {  	_ =	shalt  }
0x64: {  	_ =	shalt  }
0x65: {  	_ =	shalt  }
0x66: {  	_ =	shalt  }
0x67: {  	_ =	shalt  }
0x68: {  	_ =	shalt  }
0x69: {  	_ =	shalt  }
0x6a: {  	_ =	shalt  }
0x6b: {  	_ =	shalt  }
0x6c: {  	_ =	shalt  }
0x6d: {  	_ =	shalt  }
0x6e: {  	_ =	shalt  }
0x6f: {  	_ =	shalt  }
0x70: {  	_ =	shalt  }
0x71: {  	_ =	shalt  }
0x72: {  	_ =	shalt  }
0x73: {  	_ =	shalt  }
0x74: {  	_ =	shalt  }
0x75: {  	_ =	shalt  }
0x76: {  	_ =	shalt  }
0x77: {  	_ =	shalt  }
0x78: {  	_ =	shalt  }
0x79: {  	_ =	shalt  }
0x7a: {  	_ =	shalt  }
0x7b: {  	_ =	shalt  }
0x7c: {  	_ =	shalt  }
0x7d: {  	_ =	shalt  }
0x7e: {  	_ =	shalt  }
0x7f: {  	_ =	shalt  }
0x80: {  	_ =	shalt  }
0x81: {  	_ =	shalt  }
0x82: {  	_ =	shalt  }
0x83: {  	_ =	shalt  }
0x84: {  	_ =	shalt  }
0x85: {  	_ =	shalt  }
0x86: {  	_ =	shalt  }
0x87: {  	_ =	shalt  }
.Lfunc_end0:
.L_simem_size_0:
called_computation.1_lowered:
.L_overlay_start_0:
0x88: {  	s2 =	sld [smem:$0x3FD9]  }
0x89: {  	s3 =	sld [smem:$0x3FFE];
	_ =	sdelay $0x1  }
0x8a: {  	s1 =	srdreg.scid  }
0x8b: {  	s0 =	sand.u32 $0x1, s1  }
0x8c: {  	s17 =	sshll.u32 s0, $0xA;
	s2 =	sadd.s32 s3, s2  }
0x8d: {  	s2 =	sadd.s32 s2, s17  }
0x8e: {  	[smem:$0x3FC3] =	sst s2  }
0x8f: {  	_ = 	snop  }
0x90: {  	s2 =	sld [smem:$0x3FC9]  }
0x91: {  	s18 =	sld [smem:$0x3FC6]  }
0x92: {  	s4 =	sld [smem:$0x3FC5]  }
0x93: {  	s5 =	sld [smem:$0x3FD0];
	(tm) =	ssettm $0x1  }
0x94: {  	s6 =	sld [smem:$0x3FFB];
	_ =	sdelay $0x3  }
0x95: {  	_ =	strace s6  }
0x96: {  	s6 =	sld [smem:$0x3FFC];
	_ =	sdelay $0x3  }
0x97: {  	_ =	strace s6  }
0x98: {  	s6 =	sld [smem:$0x3FFD];
	_ =	sdelay $0x3  }
0x99: {  	_ =	strace s6  }
0x9a: {  	_ =	strace $0x8FFFFFFF  }
0x9b: {  	s19 =	sld [smem:$0x3FDB];
	_ =	sdelay $0x1  }
0x9c: {  	s7 =	simm.s32 $_scs_section_size  }
0x9d: {  	s8 =	simm.s32 $_size__tile_overlayer_lowered;
	s9 =	simm.s32 $_tile_overlayer_lowered  }
0x9e: {  	s22 =	simm.s32 $0x1BFF;
	s21 =	sshll.u32 s9, $0x1;
	s6 =	sadd.s32 s7, s19  }
0x9f: {  	s10 =	simm.s32 $0x0;
	s20 =	sshll.u32 s8, $0x1;
	s8 =	sadd.s32 s21, s6  }
0xa0: {  	[timem:s10], [sflag:s22] =	dma.local [hbm:s8], s20  }
0xa1: {  	_ =	swait.ge [sflag:s22], s20  }
0xa2: {  	s7 =	ssub.s32 $0x0, s20;
	[sflag:s22] =	ssyncset.done $0x0  }
0xa3: {  	[sflag:s22] =	ssyncadd.s32 s7;
	_ =	sdelay $0x1  }
0xa4: {  	s23 =	simm.s32 $0x1B8B  }
0xa5: {  	_ =	swait.ge [sflag:s23], $0x1  }
0xa6: {  	[sflag:s23] =	ssyncset.done $0x0  }
0xa7: {  	s25 =	simm.s32 $0x1B8E;
	s24 =	sld [smem:$0x3FFE];
	[sflag:s23] =	ssyncadd.s32 $0xFFFFFFFF  }
0xa8: {  	s26 =	simm.s32 $execute0_lowered;
	[smem:$0x3FD2] =	sst s25  }
0xa9: {  	s8 =	sshll.u32 s26, $0x1;
	_ =	strace $0x80000046;
	[dreg:$0x1] =	wrdreg $0xFFFFFFFF  }
0xaa: {  	s28 =	simm.s32 $_size_execute0_lowered;
	s6 =	sadd.s32 s6, s8;
	[dreg:$0x0] =	wrdreg $0x0  }
0xab: {  	s8 =	sshll.u32 s28, $0x1;
	[dreg:$0x2] =	wrdreg s6  }
0xac: {  	[dreg:$0x3] =	wrdreg s8  }
0xad: {  	[dreg:$0x4] =	wrdreg $0xC0  }
0xae: {  	_ =	task [dreg:s10], $0x5FFFF  }
0xaf: {  	[dreg:$0x1] =	wrdreg $0xFFFFFFFF  }
0xb0: {  	[dreg:$0x0] =	wrdreg $0x60  }
0xb1: {  	[dreg:$0x2] =	wrdreg s2  }
0xb2: {  	[dreg:$0x3] =	wrdreg s24  }
0xb3: {  	[dreg:$0x4] =	wrdreg s18  }
0xb4: {  	[dreg:$0x5] =	wrdreg s4  }
0xb5: {  	[dreg:$0x6] =	wrdreg s5  }
0xb6: {  	[dreg:$0x7] =	wrdreg $0x9  }
0xb7: {  	_ =	task.clear_ibuf [dreg:s10], $0x8FFFF;
	_ =	strace $0x90000046  }
0xb8: {  	s29 =	simm.s32 $0x9;
	_ =	strace $0x80000048  }
0xb9: {  	_ =	swait.ge [sflag:s29], $0x1  }
0xba: {  	[sflag:s29] =	ssyncadd.s32 $0xFFFFFFFF  }
0xbb: {  	_ =	strace $0x90000048  }
0xbc: {  	_ =	sfence  }
0xbd: {  	s30 =	sld [smem:$0x0];
	_ =	sdelay $0x2  }
0xbe: {  	s31 =	sshll.u32 s1, $0xD;
	s1 =	sshrl.u32 s1, $0x2  }
0xbf: {  	s3 =	sand.u32 $0x4000, s31;
	s1 =	sadd.s32 s1, s30  }
0xc0: {  	s0 =	sor.u32 s3, s0;
	s1 =	sshll.u32 s1, $0x11  }
0xc1: {  	s0 =	sor.u32 s1, s0  }
0xc2: {  	s0 =	sadd.s32 $0x8F2B, s0  }
0xc3: {  	[sflag:s0] =	ssyncadd.remote.s32 $0x1  }
0xc4: {  	_ =	sfence.sel $0xFFFF  }
0xc5: {  	[dreg:$0x0] =	wrdreg $0xFFFFFFFF;
	(pc) =	sbr.abs _section_cstart, $3  }
0xc6: {  	[dreg:$0x1] =	wrdreg $0xFFFFFFFF  }
0xc7: {  	_ =	task.clear_ibuf [dreg:s10], $0x2FFFF;
	_ =	strace $0x9FFFFFFF  }
0xc8: {  	(tm) =	ssettm $0x7FFFFFFF  }
0xc9: {  	_ =	shalt  }
tec
execute0_lowered:
.L_overlay_start_1:
0x0: {  	(tag) =	ssettag $0x1  }
0x1: {  	s0 =	rddreg [dreg:$0x0]  }
0x2: {  	s1 =	rddreg [dreg:$0x1]  }
0x3: {  	s2 =	rddreg [dreg:$0x4]  }
0x4: {  	s4 =	simm.s32 $0x0;
	s3 =	srdreg.scid;
	s13 =	stileid.u32  }
0x5: {  	s28 =	simm.s32 $0x100;
	s29 =	simm.s32 $0x40;
	s30 =	simm.s32 $0x160  }
0x6: {  	s31 =	simm.s32 $0x0;
	[smem:$0x7FF] =	sst s4;
	s3 =	sand.u32 $0x1, s3  }
0x7: {  	s5 =	sadd.s32 $0xA00, s1;
	s9 =	smul.u32 $0x700000, s13;
	s7 =	sshll.u32 s13, $0x3  }
0x8: {  	s6 =	sadd.s32 $0x800, s1;
	s21 =	sshll.u32 s13, $0x12;
	_ =	strace $0x80000047  }
0x9: {  	s8 =	ssub.s32 $0x2, s3;
	s10 =	sshll.u32 s3, $0x2;
	s11 =	smul.u32 $0x380000, s3  }
0xa: {  	s0 =	sadd.s32 s21, s0;
	s3 =	sshll.u32 s3, $0x11;
	s19 =	sshrl.u32 s8, $0x1  }
0xb: {  	s7 =	sor.u32 s10, s7;
	s13 =	sadd.s32 s3, s0;
	s1 =	ssub.s32 s8, s19  }
0xc: {  	s8 =	sor.u32 $0x1, s7;
	s14 =	sadd.s32 s11, s9;
	s9 =	sor.u32 $0x2, s7  }
0xd: {  	s10 =	sor.u32 $0x3, s7;
	s17 =	sadd.s32 $0x10000, s13;
	s19 =	sadd.s32 $0x18000, s13  }
0xe: {  	s12 =	sshrl.u32 s14, $0x3;
	s1 =	smax.u32 s1, $0x1;
	s15 =	sadd.s32 $0xE0000, s14  }
0xf: {  	s23 =	sadd.s32 $0x1C0000, s14;
	s24 =	sadd.s32 $0x2A0000, s14;
	[dreg:$0x6] =	wrdreg s1  }
0x10: {  	s20 =	sadd.s32 s12, s2;
	s22 =	sshrl.u32 s15, $0x3;
	s25 =	sshrl.u32 s23, $0x3  }
0x11: {  	s26 =	sshrl.u32 s24, $0x3;
	s15 =	sadd.s32 $0x8000, s13;
	s23 =	simm.s32 $0x2160  }
0x12: {  	s24 =	simm.s32 $0x80;
	s12 =	sadd.s32 $0x30, s20;
	s0 =	sadd.s32 s22, s2  }
0x13: {  	s1 =	sadd.s32 s26, s2;
	s20 =	simm.s32 $0x1;
	s22 =	simm.s32 $0x120  }
0x14: {  	s26 =	simm.s32 $0x6160;
	s14 =	sadd.s32 $0x30, s0;
	s0 =	sadd.s32 s25, s2  }
0x15: {  	s18 =	sadd.s32 $0x30, s1;
	s25 =	simm.s32 $0x1C0;
	s16 =	sadd.s32 $0x30, s0  }
.LBB2_1:
0x16: {  	s0 =	rddreg [dreg:$0x2]  }
0x17: {  	[tilespmem:s4], [sflag:$0x1] =	stream.linear.gather [hbm4b:s0+s4], $0x80, $0x38;
	[tilespmem:$0xE160] =	vst v63  }
0x18: {  	_ =	swait.ge [sflag:s20], $0x80  }
0x19: {  	[sflag:s20] =	ssyncset.done $0x0  }
0x1a: {  	[sflag:s20] =	ssyncadd.s32 $0xFFFFFF80  }
0x1b: {  	s1 =	simm.s32 $0x90;
	s11 =	rddreg [dreg:$0x3]  }
0x1c: {  	[tilespmem:s1], [sflag:$0x1] =	stream.linear.gather [hbm4b:s11+s4], $0x80, $0x38;
	[tilespmem:$0xE160] =	vst v63  }
0x1d: {  	_ =	swait.ge [sflag:s20], $0x80  }
0x1e: {  	[sflag:s20] =	ssyncset.done $0x0  }
0x1f: {  	[sflag:s20] =	ssyncadd.s32 $0xFFFFFF80  }
0x20: {  	v0 =	vld [tilespmem:s7+$0x90];
	_ =	sdelay $0x4  }
0x21: {  	(v2sf) =	vpush v0, $0x0;
	_ =	sdelay $0xe  }
0x22: {  	s21 =	spop (v2sf)  }
0x23: {  	s0 =	sshll.u32 s21, $0x3  }
0x24: {  	s0 =	sand.u32 $0x1FFFFFF8, s0  }
0x25: {  	s0 =	sadd.s32 s6, s0  }
0x26: {  	v0 =	vld [tilespmem:s7+$0x0];
	[tilespmem:s22], [sflag:$0x1] =	stream.linear.gather [hbm4b:s0+s4], $0x40, $0x38  }
0x27: {  	_ =	swait.ge [sflag:s20], $0x40  }
0x28: {  	[sflag:s20] =	ssyncset.done $0x0  }
0x29: {  	[sflag:s20] =	ssyncadd.s32 $0xFFFFFFC0  }
0x2a: {  	s1 =	simm.s32 $0x0;
	s0 =	simm.s32 $0x100;
	v1 =	vld [tilespmem:$0x120]  }
.LBB2_2:
0x2b: {  	p0 =	seq.s32 s0, $0x7F00;
	_ =	sdelay $0x2  }
0x2c: {  	s2 =	sshra.s32 s1, $0x2;
	s1 =	smov.u32 s0  }
0x2d: {  	[tilespmem:s2+$0x160] =	vst v1  }
0x2e: {  	v1 =	vld [tilespmem:$0x130];
	_ =	sdelay $0x4  }
0x2f: {  	[tilespmem:s2+$0x170] =	vst v1  }
0x30: {  	v1 =	vld [tilespmem:$0x140];
	_ =	sdelay $0x4  }
0x31: {  	[tilespmem:s2+$0x180] =	vst v1  }
0x32: {  	v1 =	vld [tilespmem:$0x150];
	_ =	sdelay $0x1  }
.Ltmp0:
0x33: {  	(pc) =	sbr.rel @!p0 .LBB2_2-.Ltmp0, $3  }
0x34: {  	_ =	sdelay $0x1  }
0x35: {  	[tilespmem:s2+$0x190] =	vst v1  }
0x36: {  	s0 =	sadd.s32 $0x100, s0;
	v1 =	vld [tilespmem:$0x120]  }
0x37: {  	_ =	sdelay $0x2  }
0x38: {  	s0 =	sshra.s32 s1, $0x2  }
0x39: {  	[tilespmem:s0+$0x160] =	vst v1  }
0x3a: {  	v1 =	vld [tilespmem:$0x130];
	_ =	sdelay $0x1  }
0x3b: {  	(v2sf) =	vpush v0, $0x0;
	_ =	sdelay $0x2  }
0x3c: {  	[tilespmem:s0+$0x170] =	vst v1  }
0x3d: {  	v1 =	vld [tilespmem:$0x140];
	_ =	sdelay $0x4  }
0x3e: {  	[tilespmem:s0+$0x180] =	vst v1  }
0x3f: {  	v1 =	vld [tilespmem:$0x150];
	_ =	sdelay $0x4  }
0x40: {  	s3 =	sadd.s32 $0x0, s13;
	[tilespmem:s0+$0x190] =	vst v1;
	s0 =	spop (v2sf)  }
0x41: {  	[tilespmem:s23], [sflag:$0x1] =	stream.linear.gather [hbm4b:s3+s4], $0x4000, $0x38;
	[tilespmem:$0xE160] =	vst v63  }
0x42: {  	_ =	swait.ge [sflag:s20], $0x4000  }
0x43: {  	p0 =	sgt.s32 s0, $0x0;
	[sflag:s20] =	ssyncset.done $0x0  }
0x44: {  	s11 =	sadd.s32 $0xFFFFFFD0, s12;
	s0 =	simm.s32 @!p0 $0x0;
	[sflag:s20] =	ssyncadd.s32 $0xFFFFC000  }
0x45: {  	[hbm4b:s11+s24] =	stream.strided.scatter [tilespmem:s23], [sflag:$0x1], $0x4000, s25, s24, $0x38;
	[tilespmem:$0xE160] =	vst v63  }
0x46: {  	s0 =	smin.u32 s0, $0x1F10;
	_ =	swait.ge [sflag:s20], $0x4000  }
0x47: {  	s0 =	sshll.u32 s0, $0x5;
	[sflag:s20] =	ssyncset.done $0x0  }
0x48: {  	s0 =	sadd.s32 s0, s5;
	[sflag:s20] =	ssyncadd.s32 $0xFFFFC000  }
0x49: {  	[tilespmem:s26], [sflag:$0x1] =	stream.linear.gather [hbm4b:s0+s4], $0x8000, $0x38;
	[tilespmem:$0xE160] =	vst v63  }
0x4a: {  	_ =	swait.ge [sflag:s20], $0x8000  }
0x4b: {  	[sflag:s20] =	ssyncset.done $0x0  }
0x4c: {  	s21 =	sadd.s32 $0xFFFFFFE0, s12;
	[sflag:s20] =	ssyncadd.s32 $0xFFFF8000  }
0x4d: {  	[hbm4b:s21+s28] =	stream.strided.scatter [tilespmem:s26], [sflag:$0x1], $0x8000, s25, s28, $0x38;
	[tilespmem:$0xE160] =	vst v63  }
0x4e: {  	_ =	swait.ge [sflag:s20], $0x8000  }
0x4f: {  	[sflag:s20] =	ssyncset.done $0x0  }
0x50: {  	[sflag:s20] =	ssyncadd.s32 $0xFFFF8000  }
0x51: {  	[hbm4b:s12+s29] =	stream.strided.scatter [tilespmem:s30], [sflag:$0x1], $0x2000, s25, s29, $0x38;
	[tilespmem:$0xE160] =	vst v63  }
0x52: {  	s1 =	simm.s32 $0x800;
	s2 =	simm.s32 $0x1000;
	_ =	swait.ge [sflag:s20], $0x2000  }
0x53: {  	s3 =	sadd.s32 $0x1000, s0;
	s0 =	sadd.s32 $0x1C00, s12;
	[sflag:s20] =	ssyncset.done $0x0  }
.LBB2_4:
0x54: {  	s21 =	sadd.s32 s1, s13  }
0x55: {  	[sflag:s20] =	ssyncadd.s32 $0xFFFFE000;
	s1 =	smov.u32 s2;
	s11 =	sadd.s32 $0x800, s2  }
0x56: {  	[tilespmem:s23], [sflag:$0x1] =	stream.linear.gather [hbm4b:s21+s4], $0x4000, $0x38;
	[tilespmem:$0xE160] =	vst v63  }
0x57: {  	p0 =	sne.s32 s2, $0x7800;
	_ =	swait.ge [sflag:s20], $0x4000  }
0x58: {  	[sflag:s20] =	ssyncset.done $0x0  }
0x59: {  	s2 =	sadd.s32 $0xFFFFFFD0, s0;
	[sflag:s20] =	ssyncadd.s32 $0xFFFFC000  }
0x5a: {  	[hbm4b:s2+s24] =	stream.strided.scatter [tilespmem:s23], [sflag:$0x1], $0x4000, s25, s24, $0x38;
	[tilespmem:$0xE160] =	vst v63  }
0x5b: {  	_ =	swait.ge [sflag:s20], $0x4000  }
0x5c: {  	[sflag:s20] =	ssyncset.done $0x0  }
0x5d: {  	[sflag:s20] =	ssyncadd.s32 $0xFFFFC000  }
0x5e: {  	[tilespmem:s26], [sflag:$0x1] =	stream.linear.gather [hbm4b:s3+s4], $0x8000, $0x38;
	[tilespmem:$0xE160] =	vst v63  }
0x5f: {  	_ =	swait.ge [sflag:s20], $0x8000  }
0x60: {  	[sflag:s20] =	ssyncset.done $0x0  }
0x61: {  	s2 =	sadd.s32 $0xFFFFFFE0, s0;
	[sflag:s20] =	ssyncadd.s32 $0xFFFF8000  }
0x62: {  	[hbm4b:s2+s28] =	stream.strided.scatter [tilespmem:s26], [sflag:$0x1], $0x8000, s25, s28, $0x38;
	[tilespmem:$0xE160] =	vst v63  }
0x63: {  	_ =	swait.ge [sflag:s20], $0x8000  }
.Ltmp1:
0x64: {  	[sflag:s20] =	ssyncset.done $0x0;
	(pc) =	sbr.rel @p0 .LBB2_4-.Ltmp1, $4  }
0x65: {  	[sflag:s20] =	ssyncadd.s32 $0xFFFF8000  }
0x66: {  	[hbm4b:s0+s29] =	stream.strided.scatter [tilespmem:s30], [sflag:$0x1], $0x2000, s25, s29, $0x38;
	[tilespmem:$0xE160] =	vst v63  }
0x67: {  	s3 =	sadd.s32 $0x1000, s3;
	_ =	swait.ge [sflag:s20], $0x2000  }
0x68: {  	s2 =	smov.u32 s11;
	s0 =	sadd.s32 $0x1C00, s0;
	[sflag:s20] =	ssyncset.done $0x0  }
0x69: {  	s1 =	sadd.s32 s1, s13;
	[sflag:s20] =	ssyncadd.s32 $0xFFFFE000  }
0x6a: {  	[tilespmem:s23], [sflag:$0x1] =	stream.linear.gather [hbm4b:s1+s4], $0x4000, $0x38;
	[tilespmem:$0xE160] =	vst v63  }
0x6b: {  	_ =	swait.ge [sflag:s20], $0x4000  }
0x6c: {  	[sflag:s20] =	ssyncset.done $0x0  }
0x6d: {  	s2 =	sadd.s32 $0xFFFFFFD0, s0;
	[sflag:s20] =	ssyncadd.s32 $0xFFFFC000  }
0x6e: {  	[hbm4b:s2+s24] =	stream.strided.scatter [tilespmem:s23], [sflag:$0x1], $0x4000, s25, s24, $0x38;
	[tilespmem:$0xE160] =	vst v63  }
0x6f: {  	_ =	swait.ge [sflag:s20], $0x4000  }
0x70: {  	[sflag:s20] =	ssyncset.done $0x0  }
0x71: {  	[sflag:s20] =	ssyncadd.s32 $0xFFFFC000  }
0x72: {  	[tilespmem:s26], [sflag:$0x1] =	stream.linear.gather [hbm4b:s3+s4], $0x8000, $0x38;
	[tilespmem:$0xE160] =	vst v63  }
0x73: {  	_ =	swait.ge [sflag:s20], $0x8000  }
0x74: {  	[sflag:s20] =	ssyncset.done $0x0  }
0x75: {  	s3 =	sadd.s32 $0xFFFFFFE0, s0;
	[sflag:s20] =	ssyncadd.s32 $0xFFFF8000  }
0x76: {  	[hbm4b:s3+s28] =	stream.strided.scatter [tilespmem:s26], [sflag:$0x1], $0x8000, s25, s28, $0x38;
	[tilespmem:$0xE160] =	vst v63  }
0x77: {  	_ =	swait.ge [sflag:s20], $0x8000  }
0x78: {  	[sflag:s20] =	ssyncset.done $0x0  }
0x79: {  	[sflag:s20] =	ssyncadd.s32 $0xFFFF8000  }
0x7a: {  	[hbm4b:s0+s29] =	stream.strided.scatter [tilespmem:s30], [sflag:$0x1], $0x2000, s25, s29, $0x38;
	[tilespmem:$0xE160] =	vst v63  }
0x7b: {  	_ =	swait.ge [sflag:s20], $0x2000  }
0x7c: {  	[sflag:s20] =	ssyncset.done $0x0  }
0x7d: {  	[sflag:s20] =	ssyncadd.s32 $0xFFFFE000  }
0x7e: {  	v0 =	vld [tilespmem:s8+$0x90];
	_ =	sdelay $0x4  }
0x7f: {  	(v2sf) =	vpush v0, $0x0;
	_ =	sdelay $0xe  }
0x80: {  	s11 =	spop (v2sf)  }
0x81: {  	s0 =	sshll.u32 s11, $0x3  }
0x82: {  	s0 =	sand.u32 $0x1FFFFFF8, s0  }
0x83: {  	s21 =	sadd.s32 s6, s0;
	s0 =	simm.s32 $0x0  }
0x84: {  	v0 =	vld [tilespmem:s8+$0x0];
	[tilespmem:s22], [sflag:$0x1] =	stream.linear.gather [hbm4b:s21+s0], $0x40, $0x38  }
0x85: {  	_ =	swait.ge [sflag:s20], $0x40  }
0x86: {  	[sflag:s20] =	ssyncset.done $0x0  }
0x87: {  	[sflag:s20] =	ssyncadd.s32 $0xFFFFFFC0  }
0x88: {  	s1 =	simm.s32 $0x100;
	v1 =	vld [tilespmem:$0x120]  }
.LBB2_6:
0x89: {  	p0 =	seq.s32 s1, $0x7F00;
	_ =	sdelay $0x2  }
0x8a: {  	s2 =	sshra.s32 s0, $0x2;
	s0 =	smov.u32 s1  }
0x8b: {  	[tilespmem:s2+$0x160] =	vst v1  }
0x8c: {  	v1 =	vld [tilespmem:$0x130];
	_ =	sdelay $0x4  }
0x8d: {  	[tilespmem:s2+$0x170] =	vst v1  }
0x8e: {  	v1 =	vld [tilespmem:$0x140];
	_ =	sdelay $0x4  }
0x8f: {  	[tilespmem:s2+$0x180] =	vst v1  }
0x90: {  	v1 =	vld [tilespmem:$0x150];
	_ =	sdelay $0x1  }
.Ltmp2:
0x91: {  	(pc) =	sbr.rel @!p0 .LBB2_6-.Ltmp2, $3  }
0x92: {  	_ =	sdelay $0x1  }
0x93: {  	[tilespmem:s2+$0x190] =	vst v1  }
0x94: {  	s1 =	sadd.s32 $0x100, s1;
	v1 =	vld [tilespmem:$0x120]  }
0x95: {  	_ =	sdelay $0x2  }
0x96: {  	s0 =	sshra.s32 s0, $0x2  }
0x97: {  	[tilespmem:s0+$0x160] =	vst v1  }
0x98: {  	v1 =	vld [tilespmem:$0x130];
	_ =	sdelay $0x1  }
0x99: {  	(v2sf) =	vpush v0, $0x0;
	_ =	sdelay $0x2  }
0x9a: {  	[tilespmem:s0+$0x170] =	vst v1  }
0x9b: {  	v1 =	vld [tilespmem:$0x140];
	_ =	sdelay $0x4  }
0x9c: {  	[tilespmem:s0+$0x180] =	vst v1  }
0x9d: {  	v1 =	vld [tilespmem:$0x150];
	_ =	sdelay $0x4  }
0x9e: {  	s1 =	sadd.s32 $0x0, s15;
	[tilespmem:s0+$0x190] =	vst v1;
	s0 =	spop (v2sf)  }
0x9f: {  	[tilespmem:s23], [sflag:$0x1] =	stream.linear.gather [hbm4b:s1+s4], $0x4000, $0x38;
	[tilespmem:$0xE160] =	vst v63  }
0xa0: {  	_ =	swait.ge [sflag:s20], $0x4000  }
0xa1: {  	p0 =	sgt.s32 s0, $0x0;
	[sflag:s20] =	ssyncset.done $0x0  }
0xa2: {  	s11 =	sadd.s32 $0xFFFFFFD0, s14;
	s0 =	simm.s32 @!p0 $0x0;
	[sflag:s20] =	ssyncadd.s32 $0xFFFFC000  }
0xa3: {  	[hbm4b:s11+s24] =	stream.strided.scatter [tilespmem:s23], [sflag:$0x1], $0x4000, s25, s24, $0x38;
	[tilespmem:$0xE160] =	vst v63  }
0xa4: {  	s0 =	smin.u32 s0, $0x1F10;
	_ =	swait.ge [sflag:s20], $0x4000  }
0xa5: {  	s0 =	sshll.u32 s0, $0x5;
	[sflag:s20] =	ssyncset.done $0x0  }
0xa6: {  	s0 =	sadd.s32 s0, s5;
	[sflag:s20] =	ssyncadd.s32 $0xFFFFC000  }
0xa7: {  	[tilespmem:s26], [sflag:$0x1] =	stream.linear.gather [hbm4b:s0+s4], $0x8000, $0x38;
	[tilespmem:$0xE160] =	vst v63  }
0xa8: {  	_ =	swait.ge [sflag:s20], $0x8000  }
0xa9: {  	[sflag:s20] =	ssyncset.done $0x0  }
0xaa: {  	s21 =	sadd.s32 $0xFFFFFFE0, s14;
	[sflag:s20] =	ssyncadd.s32 $0xFFFF8000  }
0xab: {  	[hbm4b:s21+s28] =	stream.strided.scatter [tilespmem:s26], [sflag:$0x1], $0x8000, s25, s28, $0x38;
	[tilespmem:$0xE160] =	vst v63  }
0xac: {  	_ =	swait.ge [sflag:s20], $0x8000  }
0xad: {  	[sflag:s20] =	ssyncset.done $0x0  }
0xae: {  	[sflag:s20] =	ssyncadd.s32 $0xFFFF8000  }
0xaf: {  	[hbm4b:s14+s29] =	stream.strided.scatter [tilespmem:s30], [sflag:$0x1], $0x2000, s25, s29, $0x38;
	[tilespmem:$0xE160] =	vst v63  }
0xb0: {  	s2 =	simm.s32 $0x1000;
	s1 =	simm.s32 $0x800;
	_ =	swait.ge [sflag:s20], $0x2000  }
0xb1: {  	s3 =	sadd.s32 $0x1000, s0;
	s0 =	sadd.s32 $0x1C00, s14;
	[sflag:s20] =	ssyncset.done $0x0  }
.LBB2_8:
0xb2: {  	s11 =	sadd.s32 s1, s15  }
0xb3: {  	[sflag:s20] =	ssyncadd.s32 $0xFFFFE000;
	s1 =	smov.u32 s2;
	s21 =	sadd.s32 $0x800, s2  }
0xb4: {  	[tilespmem:s23], [sflag:$0x1] =	stream.linear.gather [hbm4b:s11+s4], $0x4000, $0x38;
	[tilespmem:$0xE160] =	vst v63  }
0xb5: {  	p0 =	sne.s32 s2, $0x7800;
	_ =	swait.ge [sflag:s20], $0x4000  }
0xb6: {  	[sflag:s20] =	ssyncset.done $0x0  }
0xb7: {  	s2 =	sadd.s32 $0xFFFFFFD0, s0;
	[sflag:s20] =	ssyncadd.s32 $0xFFFFC000  }
0xb8: {  	[hbm4b:s2+s24] =	stream.strided.scatter [tilespmem:s23], [sflag:$0x1], $0x4000, s25, s24, $0x38;
	[tilespmem:$0xE160] =	vst v63  }
0xb9: {  	_ =	swait.ge [sflag:s20], $0x4000  }
0xba: {  	[sflag:s20] =	ssyncset.done $0x0  }
0xbb: {  	[sflag:s20] =	ssyncadd.s32 $0xFFFFC000  }
0xbc: {  	[tilespmem:s26], [sflag:$0x1] =	stream.linear.gather [hbm4b:s3+s4], $0x8000, $0x38;
	[tilespmem:$0xE160] =	vst v63  }
0xbd: {  	_ =	swait.ge [sflag:s20], $0x8000  }
0xbe: {  	[sflag:s20] =	ssyncset.done $0x0  }
0xbf: {  	s2 =	sadd.s32 $0xFFFFFFE0, s0;
	[sflag:s20] =	ssyncadd.s32 $0xFFFF8000  }
0xc0: {  	[hbm4b:s2+s28] =	stream.strided.scatter [tilespmem:s26], [sflag:$0x1], $0x8000, s25, s28, $0x38;
	[tilespmem:$0xE160] =	vst v63  }
0xc1: {  	_ =	swait.ge [sflag:s20], $0x8000  }
.Ltmp3:
0xc2: {  	[sflag:s20] =	ssyncset.done $0x0;
	(pc) =	sbr.rel @p0 .LBB2_8-.Ltmp3, $4  }
0xc3: {  	[sflag:s20] =	ssyncadd.s32 $0xFFFF8000  }
0xc4: {  	[hbm4b:s0+s29] =	stream.strided.scatter [tilespmem:s30], [sflag:$0x1], $0x2000, s25, s29, $0x38;
	[tilespmem:$0xE160] =	vst v63  }
0xc5: {  	s3 =	sadd.s32 $0x1000, s3;
	_ =	swait.ge [sflag:s20], $0x2000  }
0xc6: {  	s2 =	smov.u32 s21;
	s0 =	sadd.s32 $0x1C00, s0;
	[sflag:s20] =	ssyncset.done $0x0  }
0xc7: {  	s1 =	sadd.s32 s1, s15;
	[sflag:s20] =	ssyncadd.s32 $0xFFFFE000  }
0xc8: {  	[tilespmem:s23], [sflag:$0x1] =	stream.linear.gather [hbm4b:s1+s4], $0x4000, $0x38;
	[tilespmem:$0xE160] =	vst v63  }
0xc9: {  	_ =	swait.ge [sflag:s20], $0x4000  }
0xca: {  	[sflag:s20] =	ssyncset.done $0x0  }
0xcb: {  	s2 =	sadd.s32 $0xFFFFFFD0, s0;
	[sflag:s20] =	ssyncadd.s32 $0xFFFFC000  }
0xcc: {  	[hbm4b:s2+s24] =	stream.strided.scatter [tilespmem:s23], [sflag:$0x1], $0x4000, s25, s24, $0x38;
	[tilespmem:$0xE160] =	vst v63  }
0xcd: {  	_ =	swait.ge [sflag:s20], $0x4000  }
0xce: {  	[sflag:s20] =	ssyncset.done $0x0  }
0xcf: {  	[sflag:s20] =	ssyncadd.s32 $0xFFFFC000  }
0xd0: {  	[tilespmem:s26], [sflag:$0x1] =	stream.linear.gather [hbm4b:s3+s4], $0x8000, $0x38;
	[tilespmem:$0xE160] =	vst v63  }
0xd1: {  	_ =	swait.ge [sflag:s20], $0x8000  }
0xd2: {  	[sflag:s20] =	ssyncset.done $0x0  }
0xd3: {  	s3 =	sadd.s32 $0xFFFFFFE0, s0;
	[sflag:s20] =	ssyncadd.s32 $0xFFFF8000  }
0xd4: {  	[hbm4b:s3+s28] =	stream.strided.scatter [tilespmem:s26], [sflag:$0x1], $0x8000, s25, s28, $0x38;
	[tilespmem:$0xE160] =	vst v63  }
0xd5: {  	_ =	swait.ge [sflag:s20], $0x8000  }
0xd6: {  	[sflag:s20] =	ssyncset.done $0x0  }
0xd7: {  	[sflag:s20] =	ssyncadd.s32 $0xFFFF8000  }
0xd8: {  	[hbm4b:s0+s29] =	stream.strided.scatter [tilespmem:s30], [sflag:$0x1], $0x2000, s25, s29, $0x38;
	[tilespmem:$0xE160] =	vst v63  }
0xd9: {  	_ =	swait.ge [sflag:s20], $0x2000  }
0xda: {  	[sflag:s20] =	ssyncset.done $0x0  }
0xdb: {  	[sflag:s20] =	ssyncadd.s32 $0xFFFFE000  }
0xdc: {  	v0 =	vld [tilespmem:s9+$0x90];
	_ =	sdelay $0x4  }
0xdd: {  	(v2sf) =	vpush v0, $0x0;
	_ =	sdelay $0xe  }
0xde: {  	s11 =	spop (v2sf)  }
0xdf: {  	s0 =	sshll.u32 s11, $0x3  }
0xe0: {  	s0 =	sand.u32 $0x1FFFFFF8, s0  }
0xe1: {  	s21 =	sadd.s32 s6, s0;
	s0 =	simm.s32 $0x0  }
0xe2: {  	v0 =	vld [tilespmem:s9+$0x0];
	[tilespmem:s22], [sflag:$0x1] =	stream.linear.gather [hbm4b:s21+s0], $0x40, $0x38  }
0xe3: {  	_ =	swait.ge [sflag:s20], $0x40  }
0xe4: {  	[sflag:s20] =	ssyncset.done $0x0  }
0xe5: {  	[sflag:s20] =	ssyncadd.s32 $0xFFFFFFC0  }
0xe6: {  	s1 =	simm.s32 $0x100;
	v1 =	vld [tilespmem:$0x120]  }
.LBB2_10:
0xe7: {  	p0 =	seq.s32 s1, $0x7F00;
	_ =	sdelay $0x2  }
0xe8: {  	s2 =	sshra.s32 s0, $0x2;
	s0 =	smov.u32 s1  }
0xe9: {  	[tilespmem:s2+$0x160] =	vst v1  }
0xea: {  	v1 =	vld [tilespmem:$0x130];
	_ =	sdelay $0x4  }
0xeb: {  	[tilespmem:s2+$0x170] =	vst v1  }
0xec: {  	v1 =	vld [tilespmem:$0x140];
	_ =	sdelay $0x4  }
0xed: {  	[tilespmem:s2+$0x180] =	vst v1  }
0xee: {  	v1 =	vld [tilespmem:$0x150];
	_ =	sdelay $0x1  }
.Ltmp4:
0xef: {  	(pc) =	sbr.rel @!p0 .LBB2_10-.Ltmp4, $3  }
0xf0: {  	_ =	sdelay $0x1  }
0xf1: {  	[tilespmem:s2+$0x190] =	vst v1  }
0xf2: {  	s1 =	sadd.s32 $0x100, s1;
	v1 =	vld [tilespmem:$0x120]  }
0xf3: {  	_ =	sdelay $0x2  }
0xf4: {  	s0 =	sshra.s32 s0, $0x2  }
0xf5: {  	[tilespmem:s0+$0x160] =	vst v1  }
0xf6: {  	v1 =	vld [tilespmem:$0x130];
	_ =	sdelay $0x1  }
0xf7: {  	(v2sf) =	vpush v0, $0x0;
	_ =	sdelay $0x2  }
0xf8: {  	[tilespmem:s0+$0x170] =	vst v1  }
0xf9: {  	v1 =	vld [tilespmem:$0x140];
	_ =	sdelay $0x4  }
0xfa: {  	[tilespmem:s0+$0x180] =	vst v1  }
0xfb: {  	v1 =	vld [tilespmem:$0x150];
	_ =	sdelay $0x4  }
0xfc: {  	s1 =	sadd.s32 $0x0, s17;
	[tilespmem:s0+$0x190] =	vst v1;
	s0 =	spop (v2sf)  }
0xfd: {  	[tilespmem:s23], [sflag:$0x1] =	stream.linear.gather [hbm4b:s1+s4], $0x4000, $0x38;
	[tilespmem:$0xE160] =	vst v63  }
0xfe: {  	_ =	swait.ge [sflag:s20], $0x4000  }
0xff: {  	p0 =	sgt.s32 s0, $0x0;
	[sflag:s20] =	ssyncset.done $0x0  }
0x100: {  	s11 =	sadd.s32 $0xFFFFFFD0, s16;
	s0 =	simm.s32 @!p0 $0x0;
	[sflag:s20] =	ssyncadd.s32 $0xFFFFC000  }
0x101: {  	[hbm4b:s11+s24] =	stream.strided.scatter [tilespmem:s23], [sflag:$0x1], $0x4000, s25, s24, $0x38;
	[tilespmem:$0xE160] =	vst v63  }
0x102: {  	s0 =	smin.u32 s0, $0x1F10;
	_ =	swait.ge [sflag:s20], $0x4000  }
0x103: {  	s0 =	sshll.u32 s0, $0x5;
	[sflag:s20] =	ssyncset.done $0x0  }
0x104: {  	s0 =	sadd.s32 s0, s5;
	[sflag:s20] =	ssyncadd.s32 $0xFFFFC000  }
0x105: {  	[tilespmem:s26], [sflag:$0x1] =	stream.linear.gather [hbm4b:s0+s4], $0x8000, $0x38;
	[tilespmem:$0xE160] =	vst v63  }
0x106: {  	_ =	swait.ge [sflag:s20], $0x8000  }
0x107: {  	[sflag:s20] =	ssyncset.done $0x0  }
0x108: {  	s21 =	sadd.s32 $0xFFFFFFE0, s16;
	[sflag:s20] =	ssyncadd.s32 $0xFFFF8000  }
0x109: {  	[hbm4b:s21+s28] =	stream.strided.scatter [tilespmem:s26], [sflag:$0x1], $0x8000, s25, s28, $0x38;
	[tilespmem:$0xE160] =	vst v63  }
0x10a: {  	_ =	swait.ge [sflag:s20], $0x8000  }
0x10b: {  	[sflag:s20] =	ssyncset.done $0x0  }
0x10c: {  	[sflag:s20] =	ssyncadd.s32 $0xFFFF8000  }
0x10d: {  	[hbm4b:s16+s29] =	stream.strided.scatter [tilespmem:s30], [sflag:$0x1], $0x2000, s25, s29, $0x38;
	[tilespmem:$0xE160] =	vst v63  }
0x10e: {  	s2 =	simm.s32 $0x1000;
	s1 =	simm.s32 $0x800;
	_ =	swait.ge [sflag:s20], $0x2000  }
0x10f: {  	s3 =	sadd.s32 $0x1000, s0;
	s0 =	sadd.s32 $0x1C00, s16;
	[sflag:s20] =	ssyncset.done $0x0  }
.LBB2_12:
0x110: {  	s11 =	sadd.s32 s1, s17  }
0x111: {  	[sflag:s20] =	ssyncadd.s32 $0xFFFFE000;
	s1 =	smov.u32 s2;
	s21 =	sadd.s32 $0x800, s2  }
0x112: {  	[tilespmem:s23], [sflag:$0x1] =	stream.linear.gather [hbm4b:s11+s4], $0x4000, $0x38;
	[tilespmem:$0xE160] =	vst v63  }
0x113: {  	p0 =	sne.s32 s2, $0x7800;
	_ =	swait.ge [sflag:s20], $0x4000  }
0x114: {  	[sflag:s20] =	ssyncset.done $0x0  }
0x115: {  	s2 =	sadd.s32 $0xFFFFFFD0, s0;
	[sflag:s20] =	ssyncadd.s32 $0xFFFFC000  }
0x116: {  	[hbm4b:s2+s24] =	stream.strided.scatter [tilespmem:s23], [sflag:$0x1], $0x4000, s25, s24, $0x38;
	[tilespmem:$0xE160] =	vst v63  }
0x117: {  	_ =	swait.ge [sflag:s20], $0x4000  }
0x118: {  	[sflag:s20] =	ssyncset.done $0x0  }
0x119: {  	[sflag:s20] =	ssyncadd.s32 $0xFFFFC000  }
0x11a: {  	[tilespmem:s26], [sflag:$0x1] =	stream.linear.gather [hbm4b:s3+s4], $0x8000, $0x38;
	[tilespmem:$0xE160] =	vst v63  }
0x11b: {  	_ =	swait.ge [sflag:s20], $0x8000  }
0x11c: {  	[sflag:s20] =	ssyncset.done $0x0  }
0x11d: {  	s2 =	sadd.s32 $0xFFFFFFE0, s0;
	[sflag:s20] =	ssyncadd.s32 $0xFFFF8000  }
0x11e: {  	[hbm4b:s2+s28] =	stream.strided.scatter [tilespmem:s26], [sflag:$0x1], $0x8000, s25, s28, $0x38;
	[tilespmem:$0xE160] =	vst v63  }
0x11f: {  	_ =	swait.ge [sflag:s20], $0x8000  }
.Ltmp5:
0x120: {  	[sflag:s20] =	ssyncset.done $0x0;
	(pc) =	sbr.rel @p0 .LBB2_12-.Ltmp5, $4  }
0x121: {  	[sflag:s20] =	ssyncadd.s32 $0xFFFF8000  }
0x122: {  	[hbm4b:s0+s29] =	stream.strided.scatter [tilespmem:s30], [sflag:$0x1], $0x2000, s25, s29, $0x38;
	[tilespmem:$0xE160] =	vst v63  }
0x123: {  	s3 =	sadd.s32 $0x1000, s3;
	_ =	swait.ge [sflag:s20], $0x2000  }
0x124: {  	s2 =	smov.u32 s21;
	s0 =	sadd.s32 $0x1C00, s0;
	[sflag:s20] =	ssyncset.done $0x0  }
0x125: {  	s1 =	sadd.s32 s1, s17;
	[sflag:s20] =	ssyncadd.s32 $0xFFFFE000  }
0x126: {  	[tilespmem:s23], [sflag:$0x1] =	stream.linear.gather [hbm4b:s1+s4], $0x4000, $0x38;
	[tilespmem:$0xE160] =	vst v63  }
0x127: {  	_ =	swait.ge [sflag:s20], $0x4000  }
0x128: {  	[sflag:s20] =	ssyncset.done $0x0  }
0x129: {  	s2 =	sadd.s32 $0xFFFFFFD0, s0;
	[sflag:s20] =	ssyncadd.s32 $0xFFFFC000  }
0x12a: {  	[hbm4b:s2+s24] =	stream.strided.scatter [tilespmem:s23], [sflag:$0x1], $0x4000, s25, s24, $0x38;
	[tilespmem:$0xE160] =	vst v63  }
0x12b: {  	_ =	swait.ge [sflag:s20], $0x4000  }
0x12c: {  	[sflag:s20] =	ssyncset.done $0x0  }
0x12d: {  	[sflag:s20] =	ssyncadd.s32 $0xFFFFC000  }
0x12e: {  	[tilespmem:s26], [sflag:$0x1] =	stream.linear.gather [hbm4b:s3+s4], $0x8000, $0x38;
	[tilespmem:$0xE160] =	vst v63  }
0x12f: {  	_ =	swait.ge [sflag:s20], $0x8000  }
0x130: {  	[sflag:s20] =	ssyncset.done $0x0  }
0x131: {  	s3 =	sadd.s32 $0xFFFFFFE0, s0;
	[sflag:s20] =	ssyncadd.s32 $0xFFFF8000  }
0x132: {  	[hbm4b:s3+s28] =	stream.strided.scatter [tilespmem:s26], [sflag:$0x1], $0x8000, s25, s28, $0x38;
	[tilespmem:$0xE160] =	vst v63  }
0x133: {  	_ =	swait.ge [sflag:s20], $0x8000  }
0x134: {  	[sflag:s20] =	ssyncset.done $0x0  }
0x135: {  	[sflag:s20] =	ssyncadd.s32 $0xFFFF8000  }
0x136: {  	[hbm4b:s0+s29] =	stream.strided.scatter [tilespmem:s30], [sflag:$0x1], $0x2000, s25, s29, $0x38;
	[tilespmem:$0xE160] =	vst v63  }
0x137: {  	_ =	swait.ge [sflag:s20], $0x2000  }
0x138: {  	[sflag:s20] =	ssyncset.done $0x0  }
0x139: {  	[sflag:s20] =	ssyncadd.s32 $0xFFFFE000  }
0x13a: {  	v0 =	vld [tilespmem:s10+$0x90];
	_ =	sdelay $0x4  }
0x13b: {  	(v2sf) =	vpush v0, $0x0;
	_ =	sdelay $0xe  }
0x13c: {  	s11 =	spop (v2sf)  }
0x13d: {  	s0 =	sshll.u32 s11, $0x3  }
0x13e: {  	s0 =	sand.u32 $0x1FFFFFF8, s0  }
0x13f: {  	s21 =	sadd.s32 s6, s0;
	s0 =	simm.s32 $0x0  }
0x140: {  	v0 =	vld [tilespmem:s10+$0x0];
	[tilespmem:s22], [sflag:$0x1] =	stream.linear.gather [hbm4b:s21+s0], $0x40, $0x38  }
0x141: {  	_ =	swait.ge [sflag:s20], $0x40  }
0x142: {  	[sflag:s20] =	ssyncset.done $0x0  }
0x143: {  	[sflag:s20] =	ssyncadd.s32 $0xFFFFFFC0  }
0x144: {  	s1 =	simm.s32 $0x100;
	v1 =	vld [tilespmem:$0x120]  }
.LBB2_14:
0x145: {  	p0 =	seq.s32 s1, $0x7F00;
	_ =	sdelay $0x2  }
0x146: {  	s2 =	sshra.s32 s0, $0x2;
	s0 =	smov.u32 s1  }
0x147: {  	[tilespmem:s2+$0x160] =	vst v1  }
0x148: {  	v1 =	vld [tilespmem:$0x130];
	_ =	sdelay $0x4  }
0x149: {  	[tilespmem:s2+$0x170] =	vst v1  }
0x14a: {  	v1 =	vld [tilespmem:$0x140];
	_ =	sdelay $0x4  }
0x14b: {  	[tilespmem:s2+$0x180] =	vst v1  }
0x14c: {  	v1 =	vld [tilespmem:$0x150];
	_ =	sdelay $0x1  }
.Ltmp6:
0x14d: {  	(pc) =	sbr.rel @!p0 .LBB2_14-.Ltmp6, $3  }
0x14e: {  	_ =	sdelay $0x1  }
0x14f: {  	[tilespmem:s2+$0x190] =	vst v1  }
0x150: {  	s1 =	sadd.s32 $0x100, s1;
	v1 =	vld [tilespmem:$0x120]  }
0x151: {  	_ =	sdelay $0x2  }
0x152: {  	s0 =	sshra.s32 s0, $0x2  }
0x153: {  	[tilespmem:s0+$0x160] =	vst v1  }
0x154: {  	v1 =	vld [tilespmem:$0x130];
	_ =	sdelay $0x1  }
0x155: {  	(v2sf) =	vpush v0, $0x0;
	_ =	sdelay $0x2  }
0x156: {  	[tilespmem:s0+$0x170] =	vst v1  }
0x157: {  	v1 =	vld [tilespmem:$0x140];
	_ =	sdelay $0x4  }
0x158: {  	[tilespmem:s0+$0x180] =	vst v1  }
0x159: {  	v1 =	vld [tilespmem:$0x150];
	_ =	sdelay $0x4  }
0x15a: {  	s1 =	sadd.s32 $0x0, s19;
	[tilespmem:s0+$0x190] =	vst v1;
	s0 =	spop (v2sf)  }
0x15b: {  	[tilespmem:s23], [sflag:$0x1] =	stream.linear.gather [hbm4b:s1+s4], $0x4000, $0x38;
	[tilespmem:$0xE160] =	vst v63  }
0x15c: {  	_ =	swait.ge [sflag:s20], $0x4000  }
0x15d: {  	p0 =	sgt.s32 s0, $0x0;
	[sflag:s20] =	ssyncset.done $0x0  }
0x15e: {  	s11 =	sadd.s32 $0xFFFFFFD0, s18;
	s0 =	simm.s32 @!p0 $0x0;
	[sflag:s20] =	ssyncadd.s32 $0xFFFFC000  }
0x15f: {  	[hbm4b:s11+s24] =	stream.strided.scatter [tilespmem:s23], [sflag:$0x1], $0x4000, s25, s24, $0x38;
	[tilespmem:$0xE160] =	vst v63  }
0x160: {  	s0 =	smin.u32 s0, $0x1F10;
	_ =	swait.ge [sflag:s20], $0x4000  }
0x161: {  	s0 =	sshll.u32 s0, $0x5;
	[sflag:s20] =	ssyncset.done $0x0  }
0x162: {  	s0 =	sadd.s32 s0, s5;
	[sflag:s20] =	ssyncadd.s32 $0xFFFFC000  }
0x163: {  	[tilespmem:s26], [sflag:$0x1] =	stream.linear.gather [hbm4b:s0+s4], $0x8000, $0x38;
	[tilespmem:$0xE160] =	vst v63  }
0x164: {  	_ =	swait.ge [sflag:s20], $0x8000  }
0x165: {  	[sflag:s20] =	ssyncset.done $0x0  }
0x166: {  	s21 =	sadd.s32 $0xFFFFFFE0, s18;
	[sflag:s20] =	ssyncadd.s32 $0xFFFF8000  }
0x167: {  	[hbm4b:s21+s28] =	stream.strided.scatter [tilespmem:s26], [sflag:$0x1], $0x8000, s25, s28, $0x38;
	[tilespmem:$0xE160] =	vst v63  }
0x168: {  	_ =	swait.ge [sflag:s20], $0x8000  }
0x169: {  	[sflag:s20] =	ssyncset.done $0x0  }
0x16a: {  	[sflag:s20] =	ssyncadd.s32 $0xFFFF8000  }
0x16b: {  	[hbm4b:s18+s29] =	stream.strided.scatter [tilespmem:s30], [sflag:$0x1], $0x2000, s25, s29, $0x38;
	[tilespmem:$0xE160] =	vst v63  }
0x16c: {  	s2 =	simm.s32 $0x1000;
	s1 =	simm.s32 $0x800;
	_ =	swait.ge [sflag:s20], $0x2000  }
0x16d: {  	s3 =	sadd.s32 $0x1000, s0;
	s0 =	sadd.s32 $0x1C00, s18;
	[sflag:s20] =	ssyncset.done $0x0  }
.LBB2_16:
0x16e: {  	s11 =	sadd.s32 s1, s19  }
0x16f: {  	[sflag:s20] =	ssyncadd.s32 $0xFFFFE000;
	s1 =	smov.u32 s2;
	s21 =	sadd.s32 $0x800, s2  }
0x170: {  	[tilespmem:s23], [sflag:$0x1] =	stream.linear.gather [hbm4b:s11+s4], $0x4000, $0x38;
	[tilespmem:$0xE160] =	vst v63  }
0x171: {  	p0 =	sne.s32 s2, $0x7800;
	_ =	swait.ge [sflag:s20], $0x4000  }
0x172: {  	[sflag:s20] =	ssyncset.done $0x0  }
0x173: {  	s2 =	sadd.s32 $0xFFFFFFD0, s0;
	[sflag:s20] =	ssyncadd.s32 $0xFFFFC000  }
0x174: {  	[hbm4b:s2+s24] =	stream.strided.scatter [tilespmem:s23], [sflag:$0x1], $0x4000, s25, s24, $0x38;
	[tilespmem:$0xE160] =	vst v63  }
0x175: {  	_ =	swait.ge [sflag:s20], $0x4000  }
0x176: {  	[sflag:s20] =	ssyncset.done $0x0  }
0x177: {  	[sflag:s20] =	ssyncadd.s32 $0xFFFFC000  }
0x178: {  	[tilespmem:s26], [sflag:$0x1] =	stream.linear.gather [hbm4b:s3+s4], $0x8000, $0x38;
	[tilespmem:$0xE160] =	vst v63  }
0x179: {  	_ =	swait.ge [sflag:s20], $0x8000  }
0x17a: {  	[sflag:s20] =	ssyncset.done $0x0  }
0x17b: {  	s2 =	sadd.s32 $0xFFFFFFE0, s0;
	[sflag:s20] =	ssyncadd.s32 $0xFFFF8000  }
0x17c: {  	[hbm4b:s2+s28] =	stream.strided.scatter [tilespmem:s26], [sflag:$0x1], $0x8000, s25, s28, $0x38;
	[tilespmem:$0xE160] =	vst v63  }
0x17d: {  	_ =	swait.ge [sflag:s20], $0x8000  }
.Ltmp7:
0x17e: {  	[sflag:s20] =	ssyncset.done $0x0;
	(pc) =	sbr.rel @p0 .LBB2_16-.Ltmp7, $4  }
0x17f: {  	[sflag:s20] =	ssyncadd.s32 $0xFFFF8000  }
0x180: {  	[hbm4b:s0+s29] =	stream.strided.scatter [tilespmem:s30], [sflag:$0x1], $0x2000, s25, s29, $0x38;
	[tilespmem:$0xE160] =	vst v63  }
0x181: {  	s3 =	sadd.s32 $0x1000, s3;
	_ =	swait.ge [sflag:s20], $0x2000  }
0x182: {  	s2 =	smov.u32 s21;
	s0 =	sadd.s32 $0x1C00, s0;
	[sflag:s20] =	ssyncset.done $0x0  }
0x183: {  	s1 =	sadd.s32 s1, s19;
	[sflag:s20] =	ssyncadd.s32 $0xFFFFE000  }
0x184: {  	[tilespmem:s23], [sflag:$0x1] =	stream.linear.gather [hbm4b:s1+s4], $0x4000, $0x38;
	[tilespmem:$0xE160] =	vst v63  }
0x185: {  	_ =	swait.ge [sflag:s20], $0x4000  }
0x186: {  	[sflag:s20] =	ssyncset.done $0x0  }
0x187: {  	s2 =	sadd.s32 $0xFFFFFFD0, s0;
	[sflag:s20] =	ssyncadd.s32 $0xFFFFC000  }
0x188: {  	[hbm4b:s2+s24] =	stream.strided.scatter [tilespmem:s23], [sflag:$0x1], $0x4000, s25, s24, $0x38;
	[tilespmem:$0xE160] =	vst v63  }
0x189: {  	_ =	swait.ge [sflag:s20], $0x4000  }
0x18a: {  	[sflag:s20] =	ssyncset.done $0x0  }
0x18b: {  	[sflag:s20] =	ssyncadd.s32 $0xFFFFC000  }
0x18c: {  	[tilespmem:s26], [sflag:$0x1] =	stream.linear.gather [hbm4b:s3+s4], $0x8000, $0x38;
	[tilespmem:$0xE160] =	vst v63  }
0x18d: {  	_ =	swait.ge [sflag:s20], $0x8000  }
0x18e: {  	[sflag:s20] =	ssyncset.done $0x0  }
0x18f: {  	s11 =	sadd.s32 $0xFFFFFFE0, s0;
	[sflag:s20] =	ssyncadd.s32 $0xFFFF8000  }
0x190: {  	[hbm4b:s11+s28] =	stream.strided.scatter [tilespmem:s26], [sflag:$0x1], $0x8000, s25, s28, $0x38;
	[tilespmem:$0xE160] =	vst v63  }
0x191: {  	_ =	swait.ge [sflag:s20], $0x8000  }
0x192: {  	[sflag:s20] =	ssyncset.done $0x0  }
0x193: {  	[sflag:s20] =	ssyncadd.s32 $0xFFFF8000  }
0x194: {  	[hbm4b:s0+s29] =	stream.strided.scatter [tilespmem:s30], [sflag:$0x1], $0x2000, s25, s29, $0x38;
	[tilespmem:$0xE160] =	vst v63  }
0x195: {  	_ =	swait.ge [sflag:s20], $0x2000  }
0x196: {  	s31 =	sadd.s32 $0x1, s31;
	s21 =	rddreg [dreg:$0x6]  }
0x197: {  	p0 =	sne.s32 s31, s21  }
.Ltmp8:
0x198: {  	_ = 	snop;
	(pc) =	sbr.rel @p0 .LBB2_1-.Ltmp8, $3  }
0x199: {  	_ =	sdelay $0x1  }
0x19a: {  	[sflag:s20] =	ssyncset.done $0x0  }
0x19b: {  	[sflag:s20] =	ssyncadd.s32 $0xFFFFE000  }
0x19c: {  	_ =	sfence.sel $0x180000  }
0x19d: {  	[bflag:$0x0] =	sbarrier.arrive $0xFFFF  }
0x19e: {  	_ =	strace $0x90000047  }
0x19f: {  	s0 =	stileid.u32;
	[bflag:$0x2] =	sbarrier.arrive $0xFFFF  }
0x1a0: {  	p0 =	sne.s32 s0, $0x0;
	s0 =	rddreg [dreg:$0x5]  }
0x1a1: {  	s0 =	sadd.s32 @!p0 $0x100000, s0  }
0x1a2: {  	[sflag:s0] =	ssyncadd.tile.s32 @!p0 $0x1;
	_ =	shalt  }
.Lfunc_end2:
_tile_overlayer_lowered:
.L_overlay_start_2:
0x1a3: {  	(tag) =	ssettag $0x2  }
0x1a4: {  	s0 =	rddreg [dreg:$0x0];
	s2 =	stileid.u32  }
0x1a5: {  	s1 =	rddreg [dreg:$0x1];
	p0 =	sne.s32 s2, $0x0  }
0x1a6: {  	s3 =	rddreg [dreg:$0x2];
	[bflag:$0x3] =	sbarrier.arrive $0xFFFF;
	s2 =	simm.s32 @!p0 $0x1C01  }
0x1a7: {  	[timem:s3], [sflag:s2] =	dma.local @!p0 [hbm:s0], s1  }
0x1a8: {  	s0 =	simm.s32 @!p0 $0x1  }
0x1a9: {  	_ =	swait.ge @!p0 [sflag:s0], s1  }
0x1aa: {  	s1 =	ssub.s32 @!p0 $0x0, s1;
	[sflag:s0] =	ssyncset.done @!p0 $0x0  }
0x1ab: {  	[sflag:s0] =	ssyncadd.s32 @!p0 s1  }
0x1ac: {  	[bflag:$0x3] =	sbarrier.arrive $0xFFFF  }
0x1ad: {  	_ =	shalt  }

// kernel: sparse-core-data-format-call.cloned.1.call-start
scs
called_computation_lowered:
.L_overlay_start_0:
0x0: {  	s2 =	sld [smem:$0x3FD9]  }
0x1: {  	s3 =	sld [smem:$0x3FFE];
	_ =	sdelay $0x1  }
0x2: {  	s1 =	srdreg.scid  }
0x3: {  	s0 =	sand.u32 $0x1, s1  }
0x4: {  	s18 =	sshll.u32 s0, $0xA;
	s2 =	sadd.s32 s3, s2  }
0x5: {  	s2 =	sadd.s32 s2, s18  }
0x6: {  	[smem:$0x3FC3] =	sst s2  }
0x7: {  	_ = 	snop  }
0x8: {  	s2 =	sld [smem:$0x3FD0];
	(tm) =	ssettm $0x1  }
0x9: {  	s19 =	sld [smem:$0x3FFB];
	_ =	sdelay $0x3  }
0xa: {  	_ =	strace s19  }
0xb: {  	s3 =	sld [smem:$0x3FFC];
	_ =	sdelay $0x3  }
0xc: {  	_ =	strace s3  }
0xd: {  	s3 =	sld [smem:$0x3FFD];
	_ =	sdelay $0x3  }
0xe: {  	_ =	strace s3  }
0xf: {  	_ =	strace $0x8FFFFFFF  }
0x10: {  	s20 =	sld [smem:$0x3FDB];
	_ =	sdelay $0x1  }
0x11: {  	s4 =	simm.s32 $_scs_section_size  }
0x12: {  	s5 =	simm.s32 $_size__tile_overlayer_lowered;
	s6 =	simm.s32 $_tile_overlayer_lowered  }
0x13: {  	s23 =	simm.s32 $0x1BFF;
	s22 =	sshll.u32 s6, $0x1;
	s3 =	sadd.s32 s4, s20  }
0x14: {  	s7 =	simm.s32 $0x0;
	s21 =	sshll.u32 s5, $0x1;
	s5 =	sadd.s32 s22, s3  }
0x15: {  	[timem:s7], [sflag:s23] =	dma.local [hbm:s5], s21  }
0x16: {  	_ =	swait.ge [sflag:s23], s21  }
0x17: {  	s4 =	ssub.s32 $0x0, s21;
	[sflag:s23] =	ssyncset.done $0x0  }
0x18: {  	[sflag:s23] =	ssyncadd.s32 s4;
	_ =	sdelay $0x1  }
0x19: {  	s24 =	simm.s32 $0x1B8B  }
0x1a: {  	_ =	swait.ge [sflag:s24], $0x1  }
0x1b: {  	[sflag:s24] =	ssyncset.done $0x0  }
0x1c: {  	s26 =	simm.s32 $0x1B8E;
	s25 =	sld [smem:$0x3FFE];
	[sflag:s24] =	ssyncadd.s32 $0xFFFFFFFF  }
0x1d: {  	s27 =	simm.s32 $execute0_lowered;
	[smem:$0x3FD2] =	sst s26  }
0x1e: {  	s5 =	sshll.u32 s27, $0x1;
	_ =	strace $0x80000049;
	[dreg:$0x1] =	wrdreg $0xFFFFFFFF  }
0x1f: {  	s28 =	simm.s32 $_size_execute0_lowered;
	s3 =	sadd.s32 s3, s5;
	[dreg:$0x0] =	wrdreg $0x0  }
0x20: {  	s5 =	sshll.u32 s28, $0x1;
	[dreg:$0x2] =	wrdreg s3  }
0x21: {  	[dreg:$0x3] =	wrdreg s5  }
0x22: {  	[dreg:$0x4] =	wrdreg $0xC0  }
0x23: {  	_ =	task [dreg:s7], $0x5FFFF  }
0x24: {  	[dreg:$0x1] =	wrdreg $0xFFFFFFFF  }
0x25: {  	[dreg:$0x0] =	wrdreg $0x60  }
0x26: {  	[dreg:$0x2] =	wrdreg s25  }
0x27: {  	[dreg:$0x3] =	wrdreg s2  }
0x28: {  	[dreg:$0x4] =	wrdreg $0x9  }
0x29: {  	_ =	task.clear_ibuf [dreg:s7], $0x5FFFF;
	_ =	strace $0x90000049  }
0x2a: {  	s29 =	simm.s32 $0x9;
	_ =	strace $0x8000004B  }
0x2b: {  	_ =	swait.ge [sflag:s29], $0x1  }
0x2c: {  	[sflag:s29] =	ssyncadd.s32 $0xFFFFFFFF  }
0x2d: {  	_ =	strace $0x9000004B  }
0x2e: {  	_ =	sfence  }
0x2f: {  	s30 =	sld [smem:$0x0];
	_ =	sdelay $0x2  }
0x30: {  	s31 =	sshll.u32 s1, $0xD;
	s1 =	sshrl.u32 s1, $0x2  }
0x31: {  	s3 =	sand.u32 $0x4000, s31;
	s1 =	sadd.s32 s1, s30  }
0x32: {  	s0 =	sor.u32 s3, s0;
	s1 =	sshll.u32 s1, $0x11  }
0x33: {  	s0 =	sor.u32 s1, s0  }
0x34: {  	s0 =	sadd.s32 $0x8F2B, s0  }
0x35: {  	[sflag:s0] =	ssyncadd.remote.s32 $0x1  }
0x36: {  	_ =	sfence.sel $0xFFFF  }
0x37: {  	[dreg:$0x0] =	wrdreg $0xFFFFFFFF;
	(pc) =	sbr.abs _section_cstart, $3  }
0x38: {  	[dreg:$0x1] =	wrdreg $0xFFFFFFFF  }
0x39: {  	_ =	task.clear_ibuf [dreg:s7], $0x2FFFF;
	_ =	strace $0x9FFFFFFF  }
0x3a: {  	(tm) =	ssettm $0x7FFFFFFF  }
0x3b: {  	_ =	shalt  }
tec
execute0_lowered:
.L_overlay_start_1:
0x0: {  	(tag) =	ssettag $0x1  }
0x1: {  	s1 =	rddreg [dreg:$0x0]  }
0x2: {  	s2 =	rddreg [dreg:$0x1]  }
0x3: {  	s0 =	rddreg [dreg:$0x2]  }
0x4: {  	s4 =	srdreg.scid;
	_ =	strace $0x8000004A;
	s6 =	simm.s32 $0x2  }
0x5: {  	s14 =	simm.s32 $0x0;
	p0 =	por $0x0, $0x0;
	s15 =	simm.s32 $0x0  }
0x6: {  	s16 =	simm.s32 $0x0;
	s7 =	simm.s32 $0x0;
	s9 =	simm.s32 $0x0  }
.Ltmp0:
0x7: {  	s10 =	simm.s32 $0x0;
	s11 =	simm.s32 $0x0;
	(pc) =	sbr.rel .LBB1_1-.Ltmp0, $4  }
0x8: {  	s12 =	simm.s32 $0x0;
	s3 =	sadd.s32 $0x800, s1;
	s4 =	sshll.u32 s4, $0x4  }
0x9: {  	s1 =	stileid.u32;
	s5 =	sand.u32 $0x10, s4;
	s4 =	simm.s32 $0x1  }
0xa: {  	s8 =	simm.s32 $0x0;
	s5 =	sor.u32 s1, s5;
	[sflag:s4] =	ssyncpa.u1 $0x0  }
0xb: {  	[sflag:s6] =	ssyncpa.u1 $0x0;
	s6 =	simm.s32 $0x4000;
	s13 =	smov.u32 s5  }
.LBB1_5:
0xc: {  	p1 =	slt.u32 s8, $0x2  }
0xd: {  	p2 =	sgt.s32 @!p1 s16, $0x7F  }
0xe: {  	s17 =	smov.u32 s16;
	s18 =	sshra.s32 @!p1 s16, $0x1F;
	p2 =	por !p2, p1  }
0xf: {  	s16 =	sand.u32 @!p1 s18, s16;
	s17 =	simm.s32 @p2 $0x7F  }
0x10: {  	p3 =	sgt.s32 @!p1 s15, $0x780;
	s16 =	ssub.s32 @!p1 s17, s16  }
0x11: {  	p3 =	por !p3, p1;
	s18 =	sshra.s32 @!p1 s15, $0x1F;
	s17 =	sadd.s32 @!p1 $0xFFFFFF81, s16  }
0x12: {  	s16 =	ssub.s32 @!p1 $0x80, s16;
	p2 =	sgt.s32 @!p1 s17, $0x0;
	s17 =	smov.u32 s15  }
0x13: {  	s15 =	sand.u32 @!p1 s18, s15;
	s17 =	simm.s32 @p3 $0x780;
	p3 =	sgt.s32 @!p1 s14, $0x140  }
0x14: {  	s18 =	smov.u32 s14;
	p2 =	por !p2, p1;
	p3 =	por !p3, p1  }
0x15: {  	s15 =	ssub.s32 @!p1 s17, s15;
	s17 =	sshra.s32 @!p1 s14, $0x1F;
	s16 =	simm.s32 @!p2 $0x0  }
0x16: {  	s18 =	simm.s32 @p3 $0x140;
	s14 =	sand.u32 @!p1 s17, s14;
	s17 =	sadd.s32 @!p1 $0xFFFFF880, s15  }
0x17: {  	s15 =	ssub.s32 @!p1 $0x800, s15;
	s14 =	ssub.s32 @!p1 s18, s14;
	p2 =	sgt.s32 @!p1 s17, $0x7F  }
0x18: {  	s18 =	smov.u32 s12;
	s17 =	sadd.s32 @!p1 $0xFFFFFEC0, s14;
	p2 =	por !p2, p1  }
0x19: {  	s14 =	ssub.s32 @!p1 $0x1C0, s14;
	p3 =	sgt.s32 @!p1 s17, $0x7F;
	s15 =	simm.s32 @!p2 $0x0  }
0x1a: {  	s17 =	sadd.s32 $0x80, s11;
	p2 =	por !p3, p1;
	s15 =	smul.u32 @!p1 s16, s15  }
0x1b: {  	s16 =	sadd.s32 $0x80, s12;
	s14 =	simm.s32 @!p2 $0x0;
	p2 =	sgt.s32 s17, $0x1BF  }
0x1c: {  	s19 =	smov.u32 s13;
	s18 =	smov.u32 @p2 s16  }
0x1d: {  	s14 =	smul.u32 @!p1 s14, s15;
	s15 =	sadd.s32 $0x20, s13;
	p3 =	sgt.s32 s18, $0x7FF  }
0x1e: {  	s8 =	sadd.s32 $0x1, s8;
	p0 =	por !p0, !p0;
	s19 =	smov.u32 @p3 s15  }
0x1f: {  	s20 =	simm.s32 @!p1 $0x2;
	s17 =	simm.s32 @p2 $0x0;
	p2 =	sgt.s32 s19, $0x7F  }
0x20: {  	s16 =	smov.u32 s10;
	s19 =	smov.u32 @p2 s5;
	p2 =	sne.s32 s8, $0x102  }
.Ltmp1:
0x21: {  	s10 =	smov.u32 s13;
	s14 =	sand.u32 @!p1 $0x3FFFFFFF, s14;
	(pc) =	sbr.rel @!p2 .LBB1_6-.Ltmp1, $4  }
0x22: {  	s18 =	simm.s32 @p3 $0x0;
	s15 =	smov.u32 s9;
	s9 =	smov.u32 s12  }
0x23: {  	_ =	swait.ge @!p1 [sflag:s20], s14;
	s21 =	ssub.s32 @!p1 $0x0, s14;
	s14 =	smov.u32 s7  }
0x24: {  	s7 =	smov.u32 s11;
	s11 =	smov.u32 s17;
	[sflag:s20] =	ssyncset.done @!p1 $0x0  }
0x25: {  	s12 =	smov.u32 s18;
	[sflag:s20] =	ssyncadd.s32 @!p1 s21;
	s13 =	smov.u32 s19  }
.LBB1_1:
0x26: {  	p1 =	sgt.u32 s8, $0xFF  }
0x27: {  	s17 =	sxor.u32 @!p1 $0xFFFFFFFF, s8  }
0x28: {  	s18 =	sshll.u32 @!p1 s12, $0x9;
	s19 =	sshll.u32 @!p1 s11, $0x3;
	s20 =	sshll.u32 @!p1 s12, $0x7  }
0x29: {  	s21 =	sand.u32 @!p1 $0x78, s11;
	s18 =	sand.u32 @!p1 $0xFF000, s18;
	s19 =	sand.u32 @!p1 $0xFFC00, s19  }
0x2a: {  	s17 =	sshll.u32 @!p1 s17, $0xE;
	s18 =	sadd.s32 @!p1 s18, s19;
	s19 =	sand.u32 @!p1 $0x200, s20  }
0x2b: {  	s17 =	sand.u32 @!p1 $0x4000, s17;
	s18 =	sor.u32 @!p1 s19, s18;
	s19 =	sand.u32 @!p1 $0x180, s20  }
0x2c: {  	s20 =	sshll.u32 @!p1 s13, $0x11;
	s19 =	sor.u32 @!p1 s21, s19;
	s18 =	sshrl.u32 @!p1 s18, $0x3  }
0x2d: {  	s20 =	sadd.s32 @!p1 s3, s20;
	s21 =	sand.u32 @!p1 $0x7, s11;
	s19 =	sshrl.u32 @!p1 s19, $0x3  }
0x2e: {  	s18 =	sand.u32 @!p1 $0x1FFC0, s18;
	s19 =	sadd.s32 @!p1 s19, s20;
	s20 =	sshll.u32 @!p1 s21, $0x12  }
0x2f: {  	s18 =	sadd.s32 @!p1 s18, s19;
	s19 =	sor.u32 @!p1 $0x400, s20;
	s20 =	simm.s32 @!p1 $0x1000  }
0x30: {  	[tilespmem:s17], [sflag:$0x1] =	stream.strided.gather @!p1 [hbm4b:s18+s19], $0x4000, s20, s19, $0x38;
	[tilespmem:$0x10100] =	vst v63  }
0x31: {  	p1 =	seq.s32 s8, $0x0  }
0x32: {  	p2 =	seq.s32 @!p1 s8, $0x101  }
0x33: {  	p1 =	por p1, p2  }
.Ltmp2:
0x34: {  	_ = 	snop;
	(pc) =	sbr.rel @p1 .LBB1_5-.Ltmp2, $1  }
0x35: {  	_ =	sdelay $0x3  }
0x36: {  	s17 =	simm.s32 $0x1  }
0x37: {  	_ =	swait.ge [sflag:s4], $0x4000;
	s17 =	simm.s32 @!p0 $0x0  }
0x38: {  	[sflag:s4] =	ssyncset.done $0x0;
	s18 =	sshll.u32 s17, $0xE  }
0x39: {  	[sflag:s4] =	ssyncadd.s32 $0xFFFFC000;
	s18 =	sor.u32 $0x40, s18  }
0x3a: {  	s17 =	smul.u32 $0x10200, s17;
	v0 =	vld [tilespmem:s18+$0x30]  }
0x3b: {  	v1 =	vld [tilespmem:s18+$0xFFFFFFD0]  }
0x3c: {  	s17 =	sshrl.u32 s17, $0x2;
	v5 =	vld [tilespmem:s18+$0xFFFFFFE0]  }
0x3d: {  	v6 =	vld [tilespmem:s18+$0xFFFFFFF0];
	s20 =	sor.u32 $0x8000, s17  }
0x3e: {  	s31 =	sand.u32 $0x1, s8;
	v4 =	vld [tilespmem:s18+$0x0];
	s19 =	sadd.s32 $0x0, s20  }
0x3f: {  	v3 =	vld [tilespmem:s18+$0x10];
	s17 =	smul.u32 $0x10200, s31;
	[tilespmem:s19+$0x3870 ss:$0x81] =	vst.msk $0xffff, v0  }
0x40: {  	v2 =	vld [tilespmem:s18+$0x20];
	[tilespmem:s19+$0x810 ss:$0x81] =	vst.msk $0xffff, v1  }
0x41: {  	s17 =	sshrl.u32 s17, $0x2;
	v1 =	vld [tilespmem:s18+$0xFFFFFFC0];
	[tilespmem:s19+$0x1020 ss:$0x81] =	vst.msk $0xffff, v5;
	s18 =	sadd.s32 $0x80, s18  }
0x42: {  	s21 =	simm.s32 $0x4;
	s22 =	simm.s32 $0x8;
	s17 =	sor.u32 $0x8000, s17;
	[tilespmem:s19+$0x1830 ss:$0x81] =	vst.msk $0xffff, v6;
	v0 =	vld [tilespmem:s18+$0x30]  }
.LBB1_3:
0x43: {  	p1 =	sne.s32 s22, $0x1FC;
	v5 =	vld [tilespmem:s18+$0xFFFFFFD0];
	[tilespmem:s19+$0x2040 ss:$0x81] =	vst.msk $0xffff, v4  }
0x44: {  	v6 =	vld [tilespmem:s18+$0xFFFFFFE0];
	[tilespmem:s19+$0x2850 ss:$0x81] =	vst.msk $0xffff, v3  }
0x45: {  	s23 =	sshra.s32 s21, $0x2;
	s21 =	smov.u32 s22;
	v7 =	vld [tilespmem:s18+$0xFFFFFFF0];
	[tilespmem:s19+$0x3060 ss:$0x81] =	vst.msk $0xffff, v2  }
.Ltmp3:
0x46: {  	v4 =	vld [tilespmem:s18+$0x0];
	[tilespmem:s19+$0x0 ss:$0x81] =	vst.msk $0xffff, v1;
	s19 =	sadd.s32 s23, s20;
	(pc) =	sbr.rel @p1 .LBB1_3-.Ltmp3, $4  }
0x47: {  	v3 =	vld [tilespmem:s18+$0x10];
	[tilespmem:s19+$0x3870 ss:$0x81] =	vst.msk $0xffff, v0  }
0x48: {  	[tilespmem:s19+$0x810 ss:$0x81] =	vst.msk $0xffff, v5;
	v2 =	vld [tilespmem:s18+$0x20]  }
0x49: {  	v1 =	vld [tilespmem:s18+$0xFFFFFFC0];
	[tilespmem:s19+$0x1020 ss:$0x81] =	vst.msk $0xffff, v6;
	s18 =	sadd.s32 $0x80, s18  }
0x4a: {  	s22 =	sadd.s32 $0x4, s22;
	v0 =	vld [tilespmem:s18+$0x30];
	[tilespmem:s19+$0x1830 ss:$0x81] =	vst.msk $0xffff, v7  }
0x4b: {  	s21 =	sshra.s32 s21, $0x2;
	s28 =	sshll.u32 s7, $0xB;
	p1 =	sgt.s32 s10, $0x7F  }
0x4c: {  	s22 =	smov.u32 s10;
	s23 =	sshra.s32 s10, $0x1F;
	s24 =	sshll.u32 s9, $0x3  }
0x4d: {  	s26 =	smov.u32 s9;
	s27 =	sshra.s32 s9, $0x1F;
	s30 =	sshra.s32 s7, $0x1F  }
0x4e: {  	s20 =	sadd.s32 s21, s20;
	s22 =	simm.s32 @!p1 $0x7F;
	s23 =	sand.u32 s23, s10  }
0x4f: {  	s21 =	sand.u32 $0xFFFFC000, s28;
	s25 =	sand.u32 $0xFFFFFC00, s24;
	p1 =	sgt.s32 s7, $0x140  }
0x50: {  	s29 =	sand.u32 s27, s9;
	s27 =	sshll.u32 s7, $0x7;
	s22 =	ssub.s32 s22, s23  }
0x51: {  	s21 =	sadd.s32 s25, s21;
	s25 =	smov.u32 s7;
	s23 =	sadd.s32 $0xFFFFFF81, s22  }
0x52: {  	s25 =	simm.s32 @!p1 $0x140;
	p1 =	sgt.s32 s9, $0x780;
	s21 =	sshrl.u32 s21, $0xB  }
0x53: {  	v5 =	vld [tilespmem:s18+$0xFFFFFFD0];
	[tilespmem:s19+$0x2040 ss:$0x81] =	vst.msk $0xffff, v4;
	s22 =	ssub.s32 $0x80, s22;
	s26 =	simm.s32 @!p1 $0x780;
	p1 =	sgt.s32 s23, $0x0  }
0x54: {  	v58 =	vld [tilespmem:s18+$0xFFFFFFE0];
	[tilespmem:s19+$0x2850 ss:$0x81] =	vst.msk $0xffff, v3;
	s28 =	smulhi.u32 $0x924925, s21;
	s23 =	ssub.s32 s26, s29;
	s26 =	sand.u32 s30, s7  }
0x55: {  	v59 =	vld [tilespmem:s18+$0xFFFFFFF0];
	[tilespmem:s19+$0x3060 ss:$0x81] =	vst.msk $0xffff, v2;
	s22 =	simm.s32 @p1 $0x0;
	s29 =	sand.u32 $0x78, s9;
	s30 =	sand.u32 $0x380, s27  }
0x56: {  	v60 =	vld [tilespmem:s18+$0x0];
	[tilespmem:s19+$0x0 ss:$0x81] =	vst.msk $0xffff, v1;
	s25 =	ssub.s32 s25, s26;
	s31 =	sadd.s32 $0xFFFFF880, s23;
	s23 =	ssub.s32 $0x800, s23  }
0x57: {  	v61 =	vld [tilespmem:s18+$0x10];
	[tilespmem:s20+$0x3870 ss:$0x81] =	vst.msk $0xffff, v0;
	s19 =	smul.u32 $0x1C0, s28;
	s28 =	sand.u32 $0x7, s9;
	p1 =	sgt.s32 s31, $0x7F  }
0x58: {  	v62 =	vld [tilespmem:s18+$0x20];
	[tilespmem:s20+$0x810 ss:$0x81] =	vst.msk $0xffff, v5;
	s26 =	sadd.s32 $0xFFFFFEC0, s25;
	s31 =	sand.u32 $0x400, s24;
	s24 =	ssub.s32 $0x1C0, s25  }
0x59: {  	v63 =	vld [tilespmem:s18+$0xFFFFFFC0];
	[tilespmem:s20+$0x1020 ss:$0x81] =	vst.msk $0xffff, v58;
	s25 =	smul.u32 $0x1C000, s10;
	s23 =	simm.s32 @p1 $0x0;
	p1 =	sgt.s32 s26, $0x7F  }
0x5a: {  	[tilespmem:s20+$0x1830 ss:$0x81] =	vst.msk $0xffff, v59;
	s18 =	sor.u32 s29, s31;
	s19 =	ssub.s32 s21, s19;
	s22 =	smul.u32 s22, s23  }
.Ltmp4:
0x5b: {  	[tilespmem:s20+$0x2040 ss:$0x81] =	vst.msk $0xffff, v60;
	s24 =	simm.s32 @p1 $0x0;
	s18 =	sor.u32 s30, s18;
	(pc) =	sbr.rel .LBB1_5-.Ltmp4, $4  }
0x5c: {  	[tilespmem:s20+$0x2850 ss:$0x81] =	vst.msk $0xffff, v61;
	s27 =	sadd.s32 s2, s25;
	s18 =	sshrl.u32 s18, $0x3;
	s26 =	smul.u32 s24, s22  }
0x5d: {  	[tilespmem:s20+$0x3060 ss:$0x81] =	vst.msk $0xffff, v62;
	s29 =	sshll.u32 s28, $0x12;
	s19 =	sshll.u32 s19, $0x8;
	s18 =	sadd.s32 s18, s27  }
0x5e: {  	[tilespmem:s20+$0x0 ss:$0x81] =	vst.msk $0xffff, v63;
	s31 =	sor.u32 $0x400, s29;
	s18 =	sadd.s32 s19, s18;
	s30 =	sand.u32 $0x3FFFFFFF, s26  }
0x5f: {  	[hbm4b:s18+s31] =	stream.strided.scatter [tilespmem:s17], [sflag:$0x2], s30, s6, s31, $0x20;
	[tilespmem:$0x10100] =	vst v63  }
.LBB1_6:
0x60: {  	_ =	sfence.sel $0x180000  }
0x61: {  	s2 =	simm.s32 $0x1;
	[bflag:$0x0] =	sbarrier.arrive $0xFFFF  }
0x62: {  	s31 =	simm.s32 $0x2;
	[sflag:s2] =	ssyncpa.u1 $0x1  }
0x63: {  	[sflag:s31] =	ssyncpa.u1 $0x1  }
0x64: {  	p0 =	sne.s32 s1, $0x0;
	_ =	strace $0x9000004A  }
0x65: {  	s0 =	sadd.s32 @!p0 $0x100000, s0;
	[bflag:$0x2] =	sbarrier.arrive $0xFFFF  }
0x66: {  	[sflag:s0] =	ssyncadd.tile.s32 @!p0 $0x1;
	_ =	shalt  }
.Lfunc_end1:
_tile_overlayer_lowered:
.L_overlay_start_2:
0x67: {  	(tag) =	ssettag $0x2  }
0x68: {  	s0 =	rddreg [dreg:$0x0];
	s2 =	stileid.u32  }
0x69: {  	s1 =	rddreg [dreg:$0x1];
	p0 =	sne.s32 s2, $0x0  }
0x6a: {  	s3 =	rddreg [dreg:$0x2];
	[bflag:$0x3] =	sbarrier.arrive $0xFFFF;
	s2 =	simm.s32 @!p0 $0x1C01  }
0x6b: {  	[timem:s3], [sflag:s2] =	dma.local @!p0 [hbm:s0], s1  }
0x6c: {  	s0 =	simm.s32 @!p0 $0x1  }
0x6d: {  	_ =	swait.ge @!p0 [sflag:s0], s1  }
0x6e: {  	s1 =	ssub.s32 @!p0 $0x0, s1;
	[sflag:s0] =	ssyncset.done @!p0 $0x0  }
0x6f: {  	[sflag:s0] =	ssyncadd.s32 @!p0 s1  }
0x70: {  	[bflag:$0x3] =	sbarrier.arrive $0xFFFF  }
0x71: {  	_ =	shalt  }

</sc_bundles>
